<compile_context>
chip_gen: v7x
topology: tpu7x:2x2x1
jax: 0.10.2.dev20260603
libtpu: 0.0.44.dev20260713+nightly
codegen_flags: <defaults>
</compile_context>

<pallas_src>
import functools

import numpy as np
import jax
import jax.numpy as jnp
from jax import lax
from jax.experimental import pallas as pl
from jax.experimental.pallas import tpu as pltpu
from jax.experimental.pallas import tpu_sc as plsc

_MAX_SEQ_LEN = 2048
_D_MODEL = 768


def _sinusoidal_pe_np(max_len: int, d_model: int) -> np.ndarray:
    pos = np.arange(max_len, dtype=np.float32)[:, None]
    div = np.exp(
        np.arange(0, d_model, 2, dtype=np.float32) * (-np.log(10000.0) / d_model)
    )
    pe = np.zeros((max_len, d_model), dtype=np.float32)
    pe[:, 0::2] = np.sin(pos * div)
    pe[:, 1::2] = np.cos(pos * div)
    return pe


_PE = _sinusoidal_pe_np(_MAX_SEQ_LEN, _D_MODEL)

_NUM_CORES = 2
_NUM_SUBCORES = 16
_NW = _NUM_CORES * _NUM_SUBCORES
_LANES = 16


def _make_sc_kernel(B: int, S: int, D: int):
    N = B * S
    b_per_w = N // _NW
    CH = 16
    n_ch = b_per_w // CH
    NB = 4
    NP = 2
    mesh = plsc.VectorSubcoreMesh(
        core_axis_name="c",
        subcore_axis_name="s",
        num_cores=_NUM_CORES,
        num_subcores=_NUM_SUBCORES,
    )

    n_pos_ch = S // b_per_w
    pos_per_core = (n_pos_ch // _NUM_CORES) * b_per_w
    stage_rows = pos_per_core // _NUM_SUBCORES

    @functools.partial(
        pl.kernel,
        out_type=jax.ShapeDtypeStruct((B, S, D), jnp.float32),
        mesh=mesh,
        scratch_types=[
            pltpu.VMEM((b_per_w,), jnp.int32),
            pltpu.VMEM_SHARED((pos_per_core, D), jnp.float32),
            [pltpu.VMEM((CH, D), jnp.float32) for _ in range(NB)],
            [pltpu.VMEM((CH, D), jnp.float32) for _ in range(NP)],
            [pltpu.SemaphoreType.DMA for _ in range(NB)],
            [pltpu.SemaphoreType.DMA for _ in range(NP)],
            [pltpu.SemaphoreType.DMA for _ in range(NB)],
        ],
    )
    def run(x_hbm, table_hbm, pe_hbm, out_hbm,
            idx_v, pe_sh, rows_v, pe_v, gsem, psem, osem):
        cid = lax.axis_index("c")
        sid = lax.axis_index("s")
        wid = sid * _NUM_CORES + cid
        base = wid * b_per_w
        b_idx = lax.div(base, S)
        s_base = lax.rem(base, S)

        pltpu.sync_copy(x_hbm.at[b_idx, pl.ds(s_base, b_per_w)], idx_v)

        def issue_gather(c):
            b = c % NB
            return pltpu.async_copy(
                table_hbm.at[idx_v.at[pl.ds(c * CH, CH)]], rows_v[b], gsem[b]
            )

        g_pending = {}
        for c in range(min(NB - 1, n_ch)):
            g_pending[c] = issue_gather(c)

        st_cmp = sid * stage_rows
        st_j = lax.div(st_cmp, b_per_w) * _NUM_CORES + cid
        st_orig = st_j * b_per_w + lax.rem(st_cmp, b_per_w)
        pltpu.sync_copy(
            pe_hbm.at[pl.ds(st_orig, stage_rows)],
            pe_sh.at[pl.ds(st_cmp, stage_rows)],
        )
        plsc.subcore_barrier()

        cmp_base = lax.div(lax.div(s_base, b_per_w), _NUM_CORES) * b_per_w

        def issue_pe(c):
            b = c % NP
            return pltpu.async_copy(
                pe_sh.at[pl.ds(cmp_base + c * CH, CH)], pe_v[b], psem[b]
            )

        p_pending = {}
        for c in range(min(NP, n_ch)):
            p_pending[c] = issue_pe(c)

        out_pending = {}
        for c in range(n_ch):
            b = c % NB
            ci = c + NB - 1
            if ci < n_ch:
                if ci - NB >= 0:
                    out_pending.pop(ci - NB).wait()
                g_pending[ci] = issue_gather(ci)
            g_pending.pop(c).wait()
            p_pending.pop(c).wait()

            def add_row(r, carry):
                for j in range(D // _LANES):
                    sl = pl.ds(j * _LANES, _LANES)
                    plsc.addupdate(rows_v[b].at[r, sl], pe_v[b % NP][r, sl])
                return carry

            if c + NP < n_ch:
                p_pending[c + NP] = issue_pe(c + NP)
            out_pending[c] = pltpu.async_copy(
                rows_v[b],
                out_hbm.at[b_idx, pl.ds(s_base + c * CH, CH)],
                osem[b],
            )
        for c in sorted(out_pending):
            out_pending.pop(c).wait()

    return run


def kernel(x, tok_table):
    B, S = x.shape
    V, D = tok_table.shape
    pe = jnp.asarray(_PE[:S])
    run = _make_sc_kernel(B, S, D)
    return run(x, tok_table, pe)

# --- scband reference (transcript-rebuilt; emitter-appended) ---
"""Pipeline reference for scband-transformer-embedding-82240033784270 (READ-ONLY COPY).

The authoritative reference and input builder live on the scoring server;
editing this copy changes nothing except your own understanding.
"""

import jax, jax.numpy as jnp
import numpy as np

VOCAB_SIZE = 100000
D_MODEL = 768
MAX_SEQ_LEN = 2048


def _sinusoidal_pe(max_len: int, d_model: int) -> jnp.ndarray:
    pos = np.arange(max_len, dtype=np.float32)[:, None]
    div = np.exp(np.arange(0, d_model, 2, dtype=np.float32) * (-np.log(10000.0) / d_model))
    pe = np.zeros((max_len, d_model), dtype=np.float32)
    pe[:, 0::2] = np.sin(pos * div)
    pe[:, 1::2] = np.cos(pos * div)
    return jnp.asarray(pe)


def setup_inputs(seed: int = 0) -> dict:
    key = jax.random.key(seed)
    k1, k2 = jax.random.split(key)
    x = jax.random.randint(k1, (4, 2048), 0, VOCAB_SIZE, dtype=jnp.int64 if jax.config.jax_enable_x64 else jnp.int32).astype(jnp.int32)
    tok_table = jax.random.normal(k2, (VOCAB_SIZE, D_MODEL), dtype=jnp.float32) * 0.02
    return {"x": x, "tok_table": tok_table}


def reference(x, tok_table):
    # TokenEmbedding: embedding table gather
    tok_emb = jnp.take(tok_table, x, axis=0)  # [B, S, D]
    # PositionalEncoding: fixed sinusoidal encoding sliced to seq_len
    seq_len = x.shape[1]
    pe = _sinusoidal_pe(MAX_SEQ_LEN, D_MODEL)[:seq_len]  # [S, D]
    pos_emb = jnp.broadcast_to(pe[None, :, :], tok_emb.shape)
    return tok_emb + pos_emb

if __name__ == "__main__":
    import jax
    _d = setup_inputs()
    print(jax.jit(kernel)(*tuple(_d.values())))

</pallas_src>

<mosaic_0001>
#map = affine_map<(d0, d1) -> (0, 0)>
#map1 = affine_map<(d0, d1) -> (0, 0, 0)>
module attributes {stable_mosaic.version = 14 : i64} {
  func.func @run(%arg0: i32, %arg1: i32, %arg2: memref<4x2048xi32, #tpu.memory_space<hbm>>, %arg3: memref<100000x768xf32, #tpu.memory_space<hbm>>, %arg4: memref<2048x768xf32, #tpu.memory_space<hbm>>, %arg5: memref<4x2048x768xf32, #tpu.memory_space<hbm>>, %arg6: memref<256xi32, #tpu.memory_space<vmem>>, %arg7: memref<1024x768xf32, #tpu.memory_space<vmem_shared>>, %arg8: memref<16x768xf32, #tpu.memory_space<vmem>>, %arg9: memref<16x768xf32, #tpu.memory_space<vmem>>, %arg10: memref<16x768xf32, #tpu.memory_space<vmem>>, %arg11: memref<16x768xf32, #tpu.memory_space<vmem>>, %arg12: memref<16x768xf32, #tpu.memory_space<vmem>>, %arg13: memref<16x768xf32, #tpu.memory_space<vmem>>, %arg14: memref<!tpu.dma_semaphore, #tpu.memory_space<semaphore_mem>>, %arg15: memref<!tpu.dma_semaphore, #tpu.memory_space<semaphore_mem>>, %arg16: memref<!tpu.dma_semaphore, #tpu.memory_space<semaphore_mem>>, %arg17: memref<!tpu.dma_semaphore, #tpu.memory_space<semaphore_mem>>, %arg18: memref<!tpu.dma_semaphore, #tpu.memory_space<semaphore_mem>>, %arg19: memref<!tpu.dma_semaphore, #tpu.memory_space<semaphore_mem>>, %arg20: memref<!tpu.dma_semaphore, #tpu.memory_space<semaphore_mem>>, %arg21: memref<!tpu.dma_semaphore, #tpu.memory_space<semaphore_mem>>, %arg22: memref<!tpu.dma_semaphore, #tpu.memory_space<semaphore_mem>>, %arg23: memref<!tpu.dma_semaphore, #tpu.memory_space<semaphore_mem>>) attributes {dimension_semantics = [#tpu.dimension_semantics<core_parallel>, #tpu.dimension_semantics<subcore_parallel>], iteration_bounds = array<i64: 2, 16>, scalar_prefetch = 0 : i64, scratch_operands = 18 : i64, tpu.core_type = #tpu.core_type<sc_vector_subcore>, window_params = [{transform_indices = #map}, {transform_indices = #map}, {transform_indices = #map}, {transform_indices = #map1}]} {
    %mul3A = arith.constant 2 : i32
    %mul3A_0 = arith.muli %arg1, %mul3A : i32
    %add3A = arith.addi %mul3A_0, %arg0 : i32
    %mul3A_1 = arith.constant 256 : i32
    %mul3A_2 = arith.muli %add3A, %mul3A_1 : i32
    %div3A = arith.constant 2048 : i32
    %div3A_3 = arith.divsi %mul3A_2, %div3A : i32
    %rem3A = arith.constant 2048 : i32
    %rem3A_4 = arith.remsi %mul3A_2, %rem3A : i32
    "tpu.region"() ({
      %run_scoped3A = tpu.sem_alloc : memref<!tpu.dma_semaphore, #tpu.memory_space<semaphore_mem>>
      %dma_start3A_565 = tpu.memref_slice %arg2[%div3A_3, %rem3A_4] : memref<4x2048xi32, #tpu.memory_space<hbm>> -> memref<1x256xi32, #tpu.memory_space<hbm>>
      %dma_start3A_566 = tpu.memref_squeeze %dma_start3A_565 : memref<1x256xi32, #tpu.memory_space<hbm>> -> memref<256xi32, #tpu.memory_space<hbm>>
      %dma_start3A_567 = tpu.memref_slice %arg2[%div3A_3, %rem3A_4] : memref<4x2048xi32, #tpu.memory_space<hbm>> -> memref<1x256xi32, #tpu.memory_space<hbm>>
      %dma_start3A_568 = tpu.memref_squeeze %dma_start3A_567 : memref<1x256xi32, #tpu.memory_space<hbm>> -> memref<256xi32, #tpu.memory_space<hbm>>
      tpu.enqueue_dma source(%dma_start3A_568 : memref<256xi32, #tpu.memory_space<hbm>>) target(%arg6 : memref<256xi32, #tpu.memory_space<vmem>>) target_semaphore(%run_scoped3A : memref<!tpu.dma_semaphore, #tpu.memory_space<semaphore_mem>>)
      %dma_wait3A_569 = tpu.memref_slice %arg2[%div3A_3, %rem3A_4] : memref<4x2048xi32, #tpu.memory_space<hbm>> -> memref<1x256xi32, #tpu.memory_space<hbm>>
      %dma_wait3A_570 = tpu.memref_squeeze %dma_wait3A_569 : memref<1x256xi32, #tpu.memory_space<hbm>> -> memref<256xi32, #tpu.memory_space<hbm>>
      %dma_wait3A_571 = tpu.memref_slice %arg2[%div3A_3, %rem3A_4] : memref<4x2048xi32, #tpu.memory_space<hbm>> -> memref<1x256xi32, #tpu.memory_space<hbm>>
      %dma_wait3A_572 = tpu.memref_squeeze %dma_wait3A_571 : memref<1x256xi32, #tpu.memory_space<hbm>> -> memref<256xi32, #tpu.memory_space<hbm>>
      tpu.wait_dma2 semaphore(%run_scoped3A : memref<!tpu.dma_semaphore, #tpu.memory_space<semaphore_mem>>) src(%dma_wait3A_572 : memref<256xi32, #tpu.memory_space<hbm>>) dst(%arg6 : memref<256xi32, #tpu.memory_space<vmem>>)
      tpu.yield
    }) : () -> ()
    %dma_start3A = arith.constant 0 : i32
    %dma_start3A_5 = tpu.memref_slice %arg6[%dma_start3A] : memref<256xi32, #tpu.memory_space<vmem>> -> memref<16xi32, #tpu.memory_space<vmem>>
    %dma_start3A_6 = arith.constant 0 : i32
    %dma_start3A_7 = arith.constant 0 : i32
    %dma_start3A_8 = tpu.memref_slice %arg3[%dma_start3A_6, %dma_start3A_7] : memref<100000x768xf32, #tpu.memory_space<hbm>> -> memref<100000x768xf32, #tpu.memory_space<hbm>>
    tpu.enqueue_indirect_dma source(%dma_start3A_8 : memref<100000x768xf32, #tpu.memory_space<hbm>>) target(%arg8 : memref<16x768xf32, #tpu.memory_space<vmem>>) offsets(%dma_start3A_5 : memref<16xi32, #tpu.memory_space<vmem>>) semaphore(%arg14 : memref<!tpu.dma_semaphore, #tpu.memory_space<semaphore_mem>>)
    %dma_start3A_9 = arith.constant 16 : i32
    %dma_start3A_10 = tpu.memref_slice %arg6[%dma_start3A_9] : memref<256xi32, #tpu.memory_space<vmem>> -> memref<16xi32, #tpu.memory_space<vmem>>
    %dma_start3A_11 = arith.constant 0 : i32
    %dma_start3A_12 = arith.constant 0 : i32
    %dma_start3A_13 = tpu.memref_slice %arg3[%dma_start3A_11, %dma_start3A_12] : memref<100000x768xf32, #tpu.memory_space<hbm>> -> memref<100000x768xf32, #tpu.memory_space<hbm>>
    tpu.enqueue_indirect_dma source(%dma_start3A_13 : memref<100000x768xf32, #tpu.memory_space<hbm>>) target(%arg9 : memref<16x768xf32, #tpu.memory_space<vmem>>) offsets(%dma_start3A_10 : memref<16xi32, #tpu.memory_space<vmem>>) semaphore(%arg15 : memref<!tpu.dma_semaphore, #tpu.memory_space<semaphore_mem>>)
    %dma_start3A_14 = arith.constant 32 : i32
    %dma_start3A_15 = tpu.memref_slice %arg6[%dma_start3A_14] : memref<256xi32, #tpu.memory_space<vmem>> -> memref<16xi32, #tpu.memory_space<vmem>>
    %dma_start3A_16 = arith.constant 0 : i32
    %dma_start3A_17 = arith.constant 0 : i32
    %dma_start3A_18 = tpu.memref_slice %arg3[%dma_start3A_16, %dma_start3A_17] : memref<100000x768xf32, #tpu.memory_space<hbm>> -> memref<100000x768xf32, #tpu.memory_space<hbm>>
    tpu.enqueue_indirect_dma source(%dma_start3A_18 : memref<100000x768xf32, #tpu.memory_space<hbm>>) target(%arg10 : memref<16x768xf32, #tpu.memory_space<vmem>>) offsets(%dma_start3A_15 : memref<16xi32, #tpu.memory_space<vmem>>) semaphore(%arg16 : memref<!tpu.dma_semaphore, #tpu.memory_space<semaphore_mem>>)
    %mul3A_19 = arith.constant 64 : i32
    %mul3A_20 = arith.muli %arg1, %mul3A_19 : i32
    %div3A_21 = arith.constant 256 : i32
    %div3A_22 = arith.divsi %mul3A_20, %div3A_21 : i32
    %mul3A_23 = arith.constant 2 : i32
    %mul3A_24 = arith.muli %div3A_22, %mul3A_23 : i32
    %add3A_25 = arith.addi %mul3A_24, %arg0 : i32
    %mul3A_26 = arith.constant 256 : i32
    %mul3A_27 = arith.muli %add3A_25, %mul3A_26 : i32
    %rem3A_28 = arith.constant 256 : i32
    %rem3A_29 = arith.remsi %mul3A_20, %rem3A_28 : i32
    %add3A_30 = arith.addi %mul3A_27, %rem3A_29 : i32
    "tpu.region"() ({
      %run_scoped3A = tpu.sem_alloc : memref<!tpu.dma_semaphore, #tpu.memory_space<semaphore_mem>>
      %dma_start3A_565 = arith.constant 0 : i32
      %dma_start3A_566 = tpu.memref_slice %arg7[%mul3A_20, %dma_start3A_565] : memref<1024x768xf32, #tpu.memory_space<vmem_shared>> -> memref<64x768xf32, #tpu.memory_space<vmem_shared>>
      %dma_start3A_567 = arith.constant 0 : i32
      %dma_start3A_568 = tpu.memref_slice %arg4[%add3A_30, %dma_start3A_567] : memref<2048x768xf32, #tpu.memory_space<hbm>> -> memref<64x768xf32, #tpu.memory_space<hbm>>
      tpu.enqueue_dma source(%dma_start3A_568 : memref<64x768xf32, #tpu.memory_space<hbm>>) target(%dma_start3A_566 : memref<64x768xf32, #tpu.memory_space<vmem_shared>>) target_semaphore(%run_scoped3A : memref<!tpu.dma_semaphore, #tpu.memory_space<semaphore_mem>>)
      %dma_wait3A_569 = arith.constant 0 : i32
      %dma_wait3A_570 = tpu.memref_slice %arg7[%mul3A_20, %dma_wait3A_569] : memref<1024x768xf32, #tpu.memory_space<vmem_shared>> -> memref<64x768xf32, #tpu.memory_space<vmem_shared>>
      %dma_wait3A_571 = arith.constant 0 : i32
      %dma_wait3A_572 = tpu.memref_slice %arg4[%add3A_30, %dma_wait3A_571] : memref<2048x768xf32, #tpu.memory_space<hbm>> -> memref<64x768xf32, #tpu.memory_space<hbm>>
      tpu.wait_dma2 semaphore(%run_scoped3A : memref<!tpu.dma_semaphore, #tpu.memory_space<semaphore_mem>>) src(%dma_wait3A_572 : memref<64x768xf32, #tpu.memory_space<hbm>>) dst(%dma_wait3A_570 : memref<64x768xf32, #tpu.memory_space<vmem_shared>>)
      tpu.yield
    }) : () -> ()
    %barrier3A = arith.constant 0 : index
    tpu.barrier barrier_id(%barrier3A)
    %div3A_31 = arith.constant 256 : i32
    %div3A_32 = arith.divsi %rem3A_4, %div3A_31 : i32
    %div3A_33 = arith.constant 2 : i32
    %div3A_34 = arith.divsi %div3A_32, %div3A_33 : i32
    %mul3A_35 = arith.constant 256 : i32
    %mul3A_36 = arith.muli %div3A_34, %mul3A_35 : i32
    %add3A_37 = arith.constant 0 : i32
    %add3A_38 = arith.addi %mul3A_36, %add3A_37 : i32
    %dma_start3A_39 = arith.constant 0 : i32
    %dma_start3A_40 = tpu.memref_slice %arg7[%add3A_38, %dma_start3A_39] : memref<1024x768xf32, #tpu.memory_space<vmem_shared>> -> memref<16x768xf32, #tpu.memory_space<vmem_shared>>
    %dma_start3A_41 = arith.constant 0 : i32
    %dma_start3A_42 = tpu.memref_slice %arg7[%add3A_38, %dma_start3A_41] : memref<1024x768xf32, #tpu.memory_space<vmem_shared>> -> memref<16x768xf32, #tpu.memory_space<vmem_shared>>
    tpu.enqueue_dma source(%dma_start3A_42 : memref<16x768xf32, #tpu.memory_space<vmem_shared>>) target(%arg12 : memref<16x768xf32, #tpu.memory_space<vmem>>) target_semaphore(%arg18 : memref<!tpu.dma_semaphore, #tpu.memory_space<semaphore_mem>>)
    %add3A_43 = arith.constant 16 : i32
    %add3A_44 = arith.addi %mul3A_36, %add3A_43 : i32
    %dma_start3A_45 = arith.constant 0 : i32
    %dma_start3A_46 = tpu.memref_slice %arg7[%add3A_44, %dma_start3A_45] : memref<1024x768xf32, #tpu.memory_space<vmem_shared>> -> memref<16x768xf32, #tpu.memory_space<vmem_shared>>
    %dma_start3A_47 = arith.constant 0 : i32
    %dma_start3A_48 = tpu.memref_slice %arg7[%add3A_44, %dma_start3A_47] : memref<1024x768xf32, #tpu.memory_space<vmem_shared>> -> memref<16x768xf32, #tpu.memory_space<vmem_shared>>
    tpu.enqueue_dma source(%dma_start3A_48 : memref<16x768xf32, #tpu.memory_space<vmem_shared>>) target(%arg13 : memref<16x768xf32, #tpu.memory_space<vmem>>) target_semaphore(%arg19 : memref<!tpu.dma_semaphore, #tpu.memory_space<semaphore_mem>>)
    %dma_start3A_49 = arith.constant 48 : i32
    %dma_start3A_50 = tpu.memref_slice %arg6[%dma_start3A_49] : memref<256xi32, #tpu.memory_space<vmem>> -> memref<16xi32, #tpu.memory_space<vmem>>
    %dma_start3A_51 = arith.constant 0 : i32
    %dma_start3A_52 = arith.constant 0 : i32
    %dma_start3A_53 = tpu.memref_slice %arg3[%dma_start3A_51, %dma_start3A_52] : memref<100000x768xf32, #tpu.memory_space<hbm>> -> memref<100000x768xf32, #tpu.memory_space<hbm>>
    tpu.enqueue_indirect_dma source(%dma_start3A_53 : memref<100000x768xf32, #tpu.memory_space<hbm>>) target(%arg11 : memref<16x768xf32, #tpu.memory_space<vmem>>) offsets(%dma_start3A_50 : memref<16xi32, #tpu.memory_space<vmem>>) semaphore(%arg17 : memref<!tpu.dma_semaphore, #tpu.memory_space<semaphore_mem>>)
    %dma_wait3A = arith.constant 0 : i32
    %dma_wait3A_54 = tpu.memref_slice %arg6[%dma_wait3A] : memref<256xi32, #tpu.memory_space<vmem>> -> memref<16xi32, #tpu.memory_space<vmem>>
    %dma_wait3A_55 = arith.constant 0 : i32
    %dma_wait3A_56 = arith.constant 0 : i32
    %dma_wait3A_57 = tpu.memref_slice %arg3[%dma_wait3A_55, %dma_wait3A_56] : memref<100000x768xf32, #tpu.memory_space<hbm>> -> memref<100000x768xf32, #tpu.memory_space<hbm>>
    tpu.wait_indirect_dma semaphore(%arg14 : memref<!tpu.dma_semaphore, #tpu.memory_space<semaphore_mem>>) src(%dma_wait3A_57 : memref<100000x768xf32, #tpu.memory_space<hbm>>) dst(%arg8 : memref<16x768xf32, #tpu.memory_space<vmem>>)
    %dma_wait3A_58 = arith.constant 0 : i32
    %dma_wait3A_59 = tpu.memref_slice %arg7[%add3A_38, %dma_wait3A_58] : memref<1024x768xf32, #tpu.memory_space<vmem_shared>> -> memref<16x768xf32, #tpu.memory_space<vmem_shared>>
    %dma_wait3A_60 = arith.constant 0 : i32
    %dma_wait3A_61 = tpu.memref_slice %arg7[%add3A_38, %dma_wait3A_60] : memref<1024x768xf32, #tpu.memory_space<vmem_shared>> -> memref<16x768xf32, #tpu.memory_space<vmem_shared>>
    tpu.wait_dma2 semaphore(%arg18 : memref<!tpu.dma_semaphore, #tpu.memory_space<semaphore_mem>>) src(%dma_wait3A_61 : memref<16x768xf32, #tpu.memory_space<vmem_shared>>) dst(%arg12 : memref<16x768xf32, #tpu.memory_space<vmem>>)
    %add3A_62 = arith.constant 32 : i32
    %add3A_63 = arith.addi %mul3A_36, %add3A_62 : i32
    %dma_start3A_64 = arith.constant 0 : i32
    %dma_start3A_65 = tpu.memref_slice %arg7[%add3A_63, %dma_start3A_64] : memref<1024x768xf32, #tpu.memory_space<vmem_shared>> -> memref<16x768xf32, #tpu.memory_space<vmem_shared>>
    %dma_start3A_66 = arith.constant 0 : i32
    %dma_start3A_67 = tpu.memref_slice %arg7[%add3A_63, %dma_start3A_66] : memref<1024x768xf32, #tpu.memory_space<vmem_shared>> -> memref<16x768xf32, #tpu.memory_space<vmem_shared>>
    tpu.enqueue_dma source(%dma_start3A_67 : memref<16x768xf32, #tpu.memory_space<vmem_shared>>) target(%arg12 : memref<16x768xf32, #tpu.memory_space<vmem>>) target_semaphore(%arg18 : memref<!tpu.dma_semaphore, #tpu.memory_space<semaphore_mem>>)
    %add3A_68 = arith.constant 0 : i32
    %add3A_69 = arith.addi %rem3A_4, %add3A_68 : i32
    %dma_start3A_70 = arith.constant 0 : i32
    %dma_start3A_71 = tpu.memref_slice %arg5[%div3A_3, %add3A_69, %dma_start3A_70] : memref<4x2048x768xf32, #tpu.memory_space<hbm>> -> memref<1x16x768xf32, #tpu.memory_space<hbm>>
    %dma_start3A_72 = tpu.memref_squeeze %dma_start3A_71 : memref<1x16x768xf32, #tpu.memory_space<hbm>> -> memref<16x768xf32, #tpu.memory_space<hbm>>
    %dma_start3A_73 = arith.constant 0 : i32
    %dma_start3A_74 = tpu.memref_slice %arg5[%div3A_3, %add3A_69, %dma_start3A_73] : memref<4x2048x768xf32, #tpu.memory_space<hbm>> -> memref<1x16x768xf32, #tpu.memory_space<hbm>>
    %dma_start3A_75 = tpu.memref_squeeze %dma_start3A_74 : memref<1x16x768xf32, #tpu.memory_space<hbm>> -> memref<16x768xf32, #tpu.memory_space<hbm>>
    tpu.enqueue_dma source(%arg8 : memref<16x768xf32, #tpu.memory_space<vmem>>) target(%dma_start3A_75 : memref<16x768xf32, #tpu.memory_space<hbm>>) target_semaphore(%arg20 : memref<!tpu.dma_semaphore, #tpu.memory_space<semaphore_mem>>)
    %dma_wait3A_76 = arith.constant 0 : i32
    %dma_wait3A_77 = tpu.memref_slice %arg5[%div3A_3, %add3A_69, %dma_wait3A_76] : memref<4x2048x768xf32, #tpu.memory_space<hbm>> -> memref<1x16x768xf32, #tpu.memory_space<hbm>>
    %dma_wait3A_78 = tpu.memref_squeeze %dma_wait3A_77 : memref<1x16x768xf32, #tpu.memory_space<hbm>> -> memref<16x768xf32, #tpu.memory_space<hbm>>
    %dma_wait3A_79 = arith.constant 0 : i32
    %dma_wait3A_80 = tpu.memref_slice %arg5[%div3A_3, %add3A_69, %dma_wait3A_79] : memref<4x2048x768xf32, #tpu.memory_space<hbm>> -> memref<1x16x768xf32, #tpu.memory_space<hbm>>
    %dma_wait3A_81 = tpu.memref_squeeze %dma_wait3A_80 : memref<1x16x768xf32, #tpu.memory_space<hbm>> -> memref<16x768xf32, #tpu.memory_space<hbm>>
    tpu.wait_dma2 semaphore(%arg20 : memref<!tpu.dma_semaphore, #tpu.memory_space<semaphore_mem>>) src(%arg8 : memref<16x768xf32, #tpu.memory_space<vmem>>) dst(%dma_wait3A_81 : memref<16x768xf32, #tpu.memory_space<hbm>>)
    %dma_start3A_82 = arith.constant 64 : i32
    %dma_start3A_83 = tpu.memref_slice %arg6[%dma_start3A_82] : memref<256xi32, #tpu.memory_space<vmem>> -> memref<16xi32, #tpu.memory_space<vmem>>
    %dma_start3A_84 = arith.constant 0 : i32
    %dma_start3A_85 = arith.constant 0 : i32
    %dma_start3A_86 = tpu.memref_slice %arg3[%dma_start3A_84, %dma_start3A_85] : memref<100000x768xf32, #tpu.memory_space<hbm>> -> memref<100000x768xf32, #tpu.memory_space<hbm>>
    tpu.enqueue_indirect_dma source(%dma_start3A_86 : memref<100000x768xf32, #tpu.memory_space<hbm>>) target(%arg8 : memref<16x768xf32, #tpu.memory_space<vmem>>) offsets(%dma_start3A_83 : memref<16xi32, #tpu.memory_space<vmem>>) semaphore(%arg14 : memref<!tpu.dma_semaphore, #tpu.memory_space<semaphore_mem>>)
    %dma_wait3A_87 = arith.constant 16 : i32
    %dma_wait3A_88 = tpu.memref_slice %arg6[%dma_wait3A_87] : memref<256xi32, #tpu.memory_space<vmem>> -> memref<16xi32, #tpu.memory_space<vmem>>
    %dma_wait3A_89 = arith.constant 0 : i32
    %dma_wait3A_90 = arith.constant 0 : i32
    %dma_wait3A_91 = tpu.memref_slice %arg3[%dma_wait3A_89, %dma_wait3A_90] : memref<100000x768xf32, #tpu.memory_space<hbm>> -> memref<100000x768xf32, #tpu.memory_space<hbm>>
    tpu.wait_indirect_dma semaphore(%arg15 : memref<!tpu.dma_semaphore, #tpu.memory_space<semaphore_mem>>) src(%dma_wait3A_91 : memref<100000x768xf32, #tpu.memory_space<hbm>>) dst(%arg9 : memref<16x768xf32, #tpu.memory_space<vmem>>)
    %dma_wait3A_92 = arith.constant 0 : i32
    %dma_wait3A_93 = tpu.memref_slice %arg7[%add3A_44, %dma_wait3A_92] : memref<1024x768xf32, #tpu.memory_space<vmem_shared>> -> memref<16x768xf32, #tpu.memory_space<vmem_shared>>
    %dma_wait3A_94 = arith.constant 0 : i32
    %dma_wait3A_95 = tpu.memref_slice %arg7[%add3A_44, %dma_wait3A_94] : memref<1024x768xf32, #tpu.memory_space<vmem_shared>> -> memref<16x768xf32, #tpu.memory_space<vmem_shared>>
    tpu.wait_dma2 semaphore(%arg19 : memref<!tpu.dma_semaphore, #tpu.memory_space<semaphore_mem>>) src(%dma_wait3A_95 : memref<16x768xf32, #tpu.memory_space<vmem_shared>>) dst(%arg13 : memref<16x768xf32, #tpu.memory_space<vmem>>)
    %add3A_96 = arith.constant 48 : i32
    %add3A_97 = arith.addi %mul3A_36, %add3A_96 : i32
    %dma_start3A_98 = arith.constant 0 : i32
    %dma_start3A_99 = tpu.memref_slice %arg7[%add3A_97, %dma_start3A_98] : memref<1024x768xf32, #tpu.memory_space<vmem_shared>> -> memref<16x768xf32, #tpu.memory_space<vmem_shared>>
    %dma_start3A_100 = arith.constant 0 : i32
    %dma_start3A_101 = tpu.memref_slice %arg7[%add3A_97, %dma_start3A_100] : memref<1024x768xf32, #tpu.memory_space<vmem_shared>> -> memref<16x768xf32, #tpu.memory_space<vmem_shared>>
    tpu.enqueue_dma source(%dma_start3A_101 : memref<16x768xf32, #tpu.memory_space<vmem_shared>>) target(%arg13 : memref<16x768xf32, #tpu.memory_space<vmem>>) target_semaphore(%arg19 : memref<!tpu.dma_semaphore, #tpu.memory_space<semaphore_mem>>)
    %add3A_102 = arith.constant 16 : i32
    %add3A_103 = arith.addi %rem3A_4, %add3A_102 : i32
    %dma_start3A_104 = arith.constant 0 : i32
    %dma_start3A_105 = tpu.memref_slice %arg5[%div3A_3, %add3A_103, %dma_start3A_104] : memref<4x2048x768xf32, #tpu.memory_space<hbm>> -> memref<1x16x768xf32, #tpu.memory_space<hbm>>
    %dma_start3A_106 = tpu.memref_squeeze %dma_start3A_105 : memref<1x16x768xf32, #tpu.memory_space<hbm>> -> memref<16x768xf32, #tpu.memory_space<hbm>>
    %dma_start3A_107 = arith.constant 0 : i32
    %dma_start3A_108 = tpu.memref_slice %arg5[%div3A_3, %add3A_103, %dma_start3A_107] : memref<4x2048x768xf32, #tpu.memory_space<hbm>> -> memref<1x16x768xf32, #tpu.memory_space<hbm>>
    %dma_start3A_109 = tpu.memref_squeeze %dma_start3A_108 : memref<1x16x768xf32, #tpu.memory_space<hbm>> -> memref<16x768xf32, #tpu.memory_space<hbm>>
    tpu.enqueue_dma source(%arg9 : memref<16x768xf32, #tpu.memory_space<vmem>>) target(%dma_start3A_109 : memref<16x768xf32, #tpu.memory_space<hbm>>) target_semaphore(%arg21 : memref<!tpu.dma_semaphore, #tpu.memory_space<semaphore_mem>>)
    %dma_wait3A_110 = arith.constant 0 : i32
    %dma_wait3A_111 = tpu.memref_slice %arg5[%div3A_3, %add3A_103, %dma_wait3A_110] : memref<4x2048x768xf32, #tpu.memory_space<hbm>> -> memref<1x16x768xf32, #tpu.memory_space<hbm>>
    %dma_wait3A_112 = tpu.memref_squeeze %dma_wait3A_111 : memref<1x16x768xf32, #tpu.memory_space<hbm>> -> memref<16x768xf32, #tpu.memory_space<hbm>>
    %dma_wait3A_113 = arith.constant 0 : i32
    %dma_wait3A_114 = tpu.memref_slice %arg5[%div3A_3, %add3A_103, %dma_wait3A_113] : memref<4x2048x768xf32, #tpu.memory_space<hbm>> -> memref<1x16x768xf32, #tpu.memory_space<hbm>>
    %dma_wait3A_115 = tpu.memref_squeeze %dma_wait3A_114 : memref<1x16x768xf32, #tpu.memory_space<hbm>> -> memref<16x768xf32, #tpu.memory_space<hbm>>
    tpu.wait_dma2 semaphore(%arg21 : memref<!tpu.dma_semaphore, #tpu.memory_space<semaphore_mem>>) src(%arg9 : memref<16x768xf32, #tpu.memory_space<vmem>>) dst(%dma_wait3A_115 : memref<16x768xf32, #tpu.memory_space<hbm>>)
    %dma_start3A_116 = arith.constant 80 : i32
    %dma_start3A_117 = tpu.memref_slice %arg6[%dma_start3A_116] : memref<256xi32, #tpu.memory_space<vmem>> -> memref<16xi32, #tpu.memory_space<vmem>>
    %dma_start3A_118 = arith.constant 0 : i32
    %dma_start3A_119 = arith.constant 0 : i32
    %dma_start3A_120 = tpu.memref_slice %arg3[%dma_start3A_118, %dma_start3A_119] : memref<100000x768xf32, #tpu.memory_space<hbm>> -> memref<100000x768xf32, #tpu.memory_space<hbm>>
    tpu.enqueue_indirect_dma source(%dma_start3A_120 : memref<100000x768xf32, #tpu.memory_space<hbm>>) target(%arg9 : memref<16x768xf32, #tpu.memory_space<vmem>>) offsets(%dma_start3A_117 : memref<16xi32, #tpu.memory_space<vmem>>) semaphore(%arg15 : memref<!tpu.dma_semaphore, #tpu.memory_space<semaphore_mem>>)
    %dma_wait3A_121 = arith.constant 32 : i32
    %dma_wait3A_122 = tpu.memref_slice %arg6[%dma_wait3A_121] : memref<256xi32, #tpu.memory_space<vmem>> -> memref<16xi32, #tpu.memory_space<vmem>>
    %dma_wait3A_123 = arith.constant 0 : i32
    %dma_wait3A_124 = arith.constant 0 : i32
    %dma_wait3A_125 = tpu.memref_slice %arg3[%dma_wait3A_123, %dma_wait3A_124] : memref<100000x768xf32, #tpu.memory_space<hbm>> -> memref<100000x768xf32, #tpu.memory_space<hbm>>
    tpu.wait_indirect_dma semaphore(%arg16 : memref<!tpu.dma_semaphore, #tpu.memory_space<semaphore_mem>>) src(%dma_wait3A_125 : memref<100000x768xf32, #tpu.memory_space<hbm>>) dst(%arg10 : memref<16x768xf32, #tpu.memory_space<vmem>>)
    %dma_wait3A_126 = arith.constant 0 : i32
    %dma_wait3A_127 = tpu.memref_slice %arg7[%add3A_63, %dma_wait3A_126] : memref<1024x768xf32, #tpu.memory_space<vmem_shared>> -> memref<16x768xf32, #tpu.memory_space<vmem_shared>>
    %dma_wait3A_128 = arith.constant 0 : i32
    %dma_wait3A_129 = tpu.memref_slice %arg7[%add3A_63, %dma_wait3A_128] : memref<1024x768xf32, #tpu.memory_space<vmem_shared>> -> memref<16x768xf32, #tpu.memory_space<vmem_shared>>
    tpu.wait_dma2 semaphore(%arg18 : memref<!tpu.dma_semaphore, #tpu.memory_space<semaphore_mem>>) src(%dma_wait3A_129 : memref<16x768xf32, #tpu.memory_space<vmem_shared>>) dst(%arg12 : memref<16x768xf32, #tpu.memory_space<vmem>>)
    %add3A_130 = arith.constant 64 : i32
    %add3A_131 = arith.addi %mul3A_36, %add3A_130 : i32
    %dma_start3A_132 = arith.constant 0 : i32
    %dma_start3A_133 = tpu.memref_slice %arg7[%add3A_131, %dma_start3A_132] : memref<1024x768xf32, #tpu.memory_space<vmem_shared>> -> memref<16x768xf32, #tpu.memory_space<vmem_shared>>
    %dma_start3A_134 = arith.constant 0 : i32
    %dma_start3A_135 = tpu.memref_slice %arg7[%add3A_131, %dma_start3A_134] : memref<1024x768xf32, #tpu.memory_space<vmem_shared>> -> memref<16x768xf32, #tpu.memory_space<vmem_shared>>
    tpu.enqueue_dma source(%dma_start3A_135 : memref<16x768xf32, #tpu.memory_space<vmem_shared>>) target(%arg12 : memref<16x768xf32, #tpu.memory_space<vmem>>) target_semaphore(%arg18 : memref<!tpu.dma_semaphore, #tpu.memory_space<semaphore_mem>>)
    %add3A_136 = arith.constant 32 : i32
    %add3A_137 = arith.addi %rem3A_4, %add3A_136 : i32
    %dma_start3A_138 = arith.constant 0 : i32
    %dma_start3A_139 = tpu.memref_slice %arg5[%div3A_3, %add3A_137, %dma_start3A_138] : memref<4x2048x768xf32, #tpu.memory_space<hbm>> -> memref<1x16x768xf32, #tpu.memory_space<hbm>>
    %dma_start3A_140 = tpu.memref_squeeze %dma_start3A_139 : memref<1x16x768xf32, #tpu.memory_space<hbm>> -> memref<16x768xf32, #tpu.memory_space<hbm>>
    %dma_start3A_141 = arith.constant 0 : i32
    %dma_start3A_142 = tpu.memref_slice %arg5[%div3A_3, %add3A_137, %dma_start3A_141] : memref<4x2048x768xf32, #tpu.memory_space<hbm>> -> memref<1x16x768xf32, #tpu.memory_space<hbm>>
    %dma_start3A_143 = tpu.memref_squeeze %dma_start3A_142 : memref<1x16x768xf32, #tpu.memory_space<hbm>> -> memref<16x768xf32, #tpu.memory_space<hbm>>
    tpu.enqueue_dma source(%arg10 : memref<16x768xf32, #tpu.memory_space<vmem>>) target(%dma_start3A_143 : memref<16x768xf32, #tpu.memory_space<hbm>>) target_semaphore(%arg22 : memref<!tpu.dma_semaphore, #tpu.memory_space<semaphore_mem>>)
    %dma_wait3A_144 = arith.constant 0 : i32
    %dma_wait3A_145 = tpu.memref_slice %arg5[%div3A_3, %add3A_137, %dma_wait3A_144] : memref<4x2048x768xf32, #tpu.memory_space<hbm>> -> memref<1x16x768xf32, #tpu.memory_space<hbm>>
    %dma_wait3A_146 = tpu.memref_squeeze %dma_wait3A_145 : memref<1x16x768xf32, #tpu.memory_space<hbm>> -> memref<16x768xf32, #tpu.memory_space<hbm>>
    %dma_wait3A_147 = arith.constant 0 : i32
    %dma_wait3A_148 = tpu.memref_slice %arg5[%div3A_3, %add3A_137, %dma_wait3A_147] : memref<4x2048x768xf32, #tpu.memory_space<hbm>> -> memref<1x16x768xf32, #tpu.memory_space<hbm>>
    %dma_wait3A_149 = tpu.memref_squeeze %dma_wait3A_148 : memref<1x16x768xf32, #tpu.memory_space<hbm>> -> memref<16x768xf32, #tpu.memory_space<hbm>>
    tpu.wait_dma2 semaphore(%arg22 : memref<!tpu.dma_semaphore, #tpu.memory_space<semaphore_mem>>) src(%arg10 : memref<16x768xf32, #tpu.memory_space<vmem>>) dst(%dma_wait3A_149 : memref<16x768xf32, #tpu.memory_space<hbm>>)
    %dma_start3A_150 = arith.constant 96 : i32
    %dma_start3A_151 = tpu.memref_slice %arg6[%dma_start3A_150] : memref<256xi32, #tpu.memory_space<vmem>> -> memref<16xi32, #tpu.memory_space<vmem>>
    %dma_start3A_152 = arith.constant 0 : i32
    %dma_start3A_153 = arith.constant 0 : i32
    %dma_start3A_154 = tpu.memref_slice %arg3[%dma_start3A_152, %dma_start3A_153] : memref<100000x768xf32, #tpu.memory_space<hbm>> -> memref<100000x768xf32, #tpu.memory_space<hbm>>
    tpu.enqueue_indirect_dma source(%dma_start3A_154 : memref<100000x768xf32, #tpu.memory_space<hbm>>) target(%arg10 : memref<16x768xf32, #tpu.memory_space<vmem>>) offsets(%dma_start3A_151 : memref<16xi32, #tpu.memory_space<vmem>>) semaphore(%arg16 : memref<!tpu.dma_semaphore, #tpu.memory_space<semaphore_mem>>)
    %dma_wait3A_155 = arith.constant 48 : i32
    %dma_wait3A_156 = tpu.memref_slice %arg6[%dma_wait3A_155] : memref<256xi32, #tpu.memory_space<vmem>> -> memref<16xi32, #tpu.memory_space<vmem>>
    %dma_wait3A_157 = arith.constant 0 : i32
    %dma_wait3A_158 = arith.constant 0 : i32
    %dma_wait3A_159 = tpu.memref_slice %arg3[%dma_wait3A_157, %dma_wait3A_158] : memref<100000x768xf32, #tpu.memory_space<hbm>> -> memref<100000x768xf32, #tpu.memory_space<hbm>>
    tpu.wait_indirect_dma semaphore(%arg17 : memref<!tpu.dma_semaphore, #tpu.memory_space<semaphore_mem>>) src(%dma_wait3A_159 : memref<100000x768xf32, #tpu.memory_space<hbm>>) dst(%arg11 : memref<16x768xf32, #tpu.memory_space<vmem>>)
    %dma_wait3A_160 = arith.constant 0 : i32
    %dma_wait3A_161 = tpu.memref_slice %arg7[%add3A_97, %dma_wait3A_160] : memref<1024x768xf32, #tpu.memory_space<vmem_shared>> -> memref<16x768xf32, #tpu.memory_space<vmem_shared>>
    %dma_wait3A_162 = arith.constant 0 : i32
    %dma_wait3A_163 = tpu.memref_slice %arg7[%add3A_97, %dma_wait3A_162] : memref<1024x768xf32, #tpu.memory_space<vmem_shared>> -> memref<16x768xf32, #tpu.memory_space<vmem_shared>>
    tpu.wait_dma2 semaphore(%arg19 : memref<!tpu.dma_semaphore, #tpu.memory_space<semaphore_mem>>) src(%dma_wait3A_163 : memref<16x768xf32, #tpu.memory_space<vmem_shared>>) dst(%arg13 : memref<16x768xf32, #tpu.memory_space<vmem>>)
    %add3A_164 = arith.constant 80 : i32
    %add3A_165 = arith.addi %mul3A_36, %add3A_164 : i32
    %dma_start3A_166 = arith.constant 0 : i32
    %dma_start3A_167 = tpu.memref_slice %arg7[%add3A_165, %dma_start3A_166] : memref<1024x768xf32, #tpu.memory_space<vmem_shared>> -> memref<16x768xf32, #tpu.memory_space<vmem_shared>>
    %dma_start3A_168 = arith.constant 0 : i32
    %dma_start3A_169 = tpu.memref_slice %arg7[%add3A_165, %dma_start3A_168] : memref<1024x768xf32, #tpu.memory_space<vmem_shared>> -> memref<16x768xf32, #tpu.memory_space<vmem_shared>>
    tpu.enqueue_dma source(%dma_start3A_169 : memref<16x768xf32, #tpu.memory_space<vmem_shared>>) target(%arg13 : memref<16x768xf32, #tpu.memory_space<vmem>>) target_semaphore(%arg19 : memref<!tpu.dma_semaphore, #tpu.memory_space<semaphore_mem>>)
    %add3A_170 = arith.constant 48 : i32
    %add3A_171 = arith.addi %rem3A_4, %add3A_170 : i32
    %dma_start3A_172 = arith.constant 0 : i32
    %dma_start3A_173 = tpu.memref_slice %arg5[%div3A_3, %add3A_171, %dma_start3A_172] : memref<4x2048x768xf32, #tpu.memory_space<hbm>> -> memref<1x16x768xf32, #tpu.memory_space<hbm>>
    %dma_start3A_174 = tpu.memref_squeeze %dma_start3A_173 : memref<1x16x768xf32, #tpu.memory_space<hbm>> -> memref<16x768xf32, #tpu.memory_space<hbm>>
    %dma_start3A_175 = arith.constant 0 : i32
    %dma_start3A_176 = tpu.memref_slice %arg5[%div3A_3, %add3A_171, %dma_start3A_175] : memref<4x2048x768xf32, #tpu.memory_space<hbm>> -> memref<1x16x768xf32, #tpu.memory_space<hbm>>
    %dma_start3A_177 = tpu.memref_squeeze %dma_start3A_176 : memref<1x16x768xf32, #tpu.memory_space<hbm>> -> memref<16x768xf32, #tpu.memory_space<hbm>>
    tpu.enqueue_dma source(%arg11 : memref<16x768xf32, #tpu.memory_space<vmem>>) target(%dma_start3A_177 : memref<16x768xf32, #tpu.memory_space<hbm>>) target_semaphore(%arg23 : memref<!tpu.dma_semaphore, #tpu.memory_space<semaphore_mem>>)
    %dma_wait3A_178 = arith.constant 0 : i32
    %dma_wait3A_179 = tpu.memref_slice %arg5[%div3A_3, %add3A_171, %dma_wait3A_178] : memref<4x2048x768xf32, #tpu.memory_space<hbm>> -> memref<1x16x768xf32, #tpu.memory_space<hbm>>
    %dma_wait3A_180 = tpu.memref_squeeze %dma_wait3A_179 : memref<1x16x768xf32, #tpu.memory_space<hbm>> -> memref<16x768xf32, #tpu.memory_space<hbm>>
    %dma_wait3A_181 = arith.constant 0 : i32
    %dma_wait3A_182 = tpu.memref_slice %arg5[%div3A_3, %add3A_171, %dma_wait3A_181] : memref<4x2048x768xf32, #tpu.memory_space<hbm>> -> memref<1x16x768xf32, #tpu.memory_space<hbm>>
    %dma_wait3A_183 = tpu.memref_squeeze %dma_wait3A_182 : memref<1x16x768xf32, #tpu.memory_space<hbm>> -> memref<16x768xf32, #tpu.memory_space<hbm>>
    tpu.wait_dma2 semaphore(%arg23 : memref<!tpu.dma_semaphore, #tpu.memory_space<semaphore_mem>>) src(%arg11 : memref<16x768xf32, #tpu.memory_space<vmem>>) dst(%dma_wait3A_183 : memref<16x768xf32, #tpu.memory_space<hbm>>)
    %dma_start3A_184 = arith.constant 112 : i32
    %dma_start3A_185 = tpu.memref_slice %arg6[%dma_start3A_184] : memref<256xi32, #tpu.memory_space<vmem>> -> memref<16xi32, #tpu.memory_space<vmem>>
    %dma_start3A_186 = arith.constant 0 : i32
    %dma_start3A_187 = arith.constant 0 : i32
    %dma_start3A_188 = tpu.memref_slice %arg3[%dma_start3A_186, %dma_start3A_187] : memref<100000x768xf32, #tpu.memory_space<hbm>> -> memref<100000x768xf32, #tpu.memory_space<hbm>>
    tpu.enqueue_indirect_dma source(%dma_start3A_188 : memref<100000x768xf32, #tpu.memory_space<hbm>>) target(%arg11 : memref<16x768xf32, #tpu.memory_space<vmem>>) offsets(%dma_start3A_185 : memref<16xi32, #tpu.memory_space<vmem>>) semaphore(%arg17 : memref<!tpu.dma_semaphore, #tpu.memory_space<semaphore_mem>>)
    %dma_wait3A_189 = arith.constant 64 : i32
    %dma_wait3A_190 = tpu.memref_slice %arg6[%dma_wait3A_189] : memref<256xi32, #tpu.memory_space<vmem>> -> memref<16xi32, #tpu.memory_space<vmem>>
    %dma_wait3A_191 = arith.constant 0 : i32
    %dma_wait3A_192 = arith.constant 0 : i32
    %dma_wait3A_193 = tpu.memref_slice %arg3[%dma_wait3A_191, %dma_wait3A_192] : memref<100000x768xf32, #tpu.memory_space<hbm>> -> memref<100000x768xf32, #tpu.memory_space<hbm>>
    tpu.wait_indirect_dma semaphore(%arg14 : memref<!tpu.dma_semaphore, #tpu.memory_space<semaphore_mem>>) src(%dma_wait3A_193 : memref<100000x768xf32, #tpu.memory_space<hbm>>) dst(%arg8 : memref<16x768xf32, #tpu.memory_space<vmem>>)
    %dma_wait3A_194 = arith.constant 0 : i32
    %dma_wait3A_195 = tpu.memref_slice %arg7[%add3A_131, %dma_wait3A_194] : memref<1024x768xf32, #tpu.memory_space<vmem_shared>> -> memref<16x768xf32, #tpu.memory_space<vmem_shared>>
    %dma_wait3A_196 = arith.constant 0 : i32
    %dma_wait3A_197 = tpu.memref_slice %arg7[%add3A_131, %dma_wait3A_196] : memref<1024x768xf32, #tpu.memory_space<vmem_shared>> -> memref<16x768xf32, #tpu.memory_space<vmem_shared>>
    tpu.wait_dma2 semaphore(%arg18 : memref<!tpu.dma_semaphore, #tpu.memory_space<semaphore_mem>>) src(%dma_wait3A_197 : memref<16x768xf32, #tpu.memory_space<vmem_shared>>) dst(%arg12 : memref<16x768xf32, #tpu.memory_space<vmem>>)
    %add3A_198 = arith.constant 96 : i32
    %add3A_199 = arith.addi %mul3A_36, %add3A_198 : i32
    %dma_start3A_200 = arith.constant 0 : i32
    %dma_start3A_201 = tpu.memref_slice %arg7[%add3A_199, %dma_start3A_200] : memref<1024x768xf32, #tpu.memory_space<vmem_shared>> -> memref<16x768xf32, #tpu.memory_space<vmem_shared>>
    %dma_start3A_202 = arith.constant 0 : i32
    %dma_start3A_203 = tpu.memref_slice %arg7[%add3A_199, %dma_start3A_202] : memref<1024x768xf32, #tpu.memory_space<vmem_shared>> -> memref<16x768xf32, #tpu.memory_space<vmem_shared>>
    tpu.enqueue_dma source(%dma_start3A_203 : memref<16x768xf32, #tpu.memory_space<vmem_shared>>) target(%arg12 : memref<16x768xf32, #tpu.memory_space<vmem>>) target_semaphore(%arg18 : memref<!tpu.dma_semaphore, #tpu.memory_space<semaphore_mem>>)
    %add3A_204 = arith.constant 64 : i32
    %add3A_205 = arith.addi %rem3A_4, %add3A_204 : i32
    %dma_start3A_206 = arith.constant 0 : i32
    %dma_start3A_207 = tpu.memref_slice %arg5[%div3A_3, %add3A_205, %dma_start3A_206] : memref<4x2048x768xf32, #tpu.memory_space<hbm>> -> memref<1x16x768xf32, #tpu.memory_space<hbm>>
    %dma_start3A_208 = tpu.memref_squeeze %dma_start3A_207 : memref<1x16x768xf32, #tpu.memory_space<hbm>> -> memref<16x768xf32, #tpu.memory_space<hbm>>
    %dma_start3A_209 = arith.constant 0 : i32
    %dma_start3A_210 = tpu.memref_slice %arg5[%div3A_3, %add3A_205, %dma_start3A_209] : memref<4x2048x768xf32, #tpu.memory_space<hbm>> -> memref<1x16x768xf32, #tpu.memory_space<hbm>>
    %dma_start3A_211 = tpu.memref_squeeze %dma_start3A_210 : memref<1x16x768xf32, #tpu.memory_space<hbm>> -> memref<16x768xf32, #tpu.memory_space<hbm>>
    tpu.enqueue_dma source(%arg8 : memref<16x768xf32, #tpu.memory_space<vmem>>) target(%dma_start3A_211 : memref<16x768xf32, #tpu.memory_space<hbm>>) target_semaphore(%arg20 : memref<!tpu.dma_semaphore, #tpu.memory_space<semaphore_mem>>)
    %dma_wait3A_212 = arith.constant 0 : i32
    %dma_wait3A_213 = tpu.memref_slice %arg5[%div3A_3, %add3A_205, %dma_wait3A_212] : memref<4x2048x768xf32, #tpu.memory_space<hbm>> -> memref<1x16x768xf32, #tpu.memory_space<hbm>>
    %dma_wait3A_214 = tpu.memref_squeeze %dma_wait3A_213 : memref<1x16x768xf32, #tpu.memory_space<hbm>> -> memref<16x768xf32, #tpu.memory_space<hbm>>
    %dma_wait3A_215 = arith.constant 0 : i32
    %dma_wait3A_216 = tpu.memref_slice %arg5[%div3A_3, %add3A_205, %dma_wait3A_215] : memref<4x2048x768xf32, #tpu.memory_space<hbm>> -> memref<1x16x768xf32, #tpu.memory_space<hbm>>
    %dma_wait3A_217 = tpu.memref_squeeze %dma_wait3A_216 : memref<1x16x768xf32, #tpu.memory_space<hbm>> -> memref<16x768xf32, #tpu.memory_space<hbm>>
    tpu.wait_dma2 semaphore(%arg20 : memref<!tpu.dma_semaphore, #tpu.memory_space<semaphore_mem>>) src(%arg8 : memref<16x768xf32, #tpu.memory_space<vmem>>) dst(%dma_wait3A_217 : memref<16x768xf32, #tpu.memory_space<hbm>>)
    %dma_start3A_218 = arith.constant 128 : i32
    %dma_start3A_219 = tpu.memref_slice %arg6[%dma_start3A_218] : memref<256xi32, #tpu.memory_space<vmem>> -> memref<16xi32, #tpu.memory_space<vmem>>
    %dma_start3A_220 = arith.constant 0 : i32
    %dma_start3A_221 = arith.constant 0 : i32
    %dma_start3A_222 = tpu.memref_slice %arg3[%dma_start3A_220, %dma_start3A_221] : memref<100000x768xf32, #tpu.memory_space<hbm>> -> memref<100000x768xf32, #tpu.memory_space<hbm>>
    tpu.enqueue_indirect_dma source(%dma_start3A_222 : memref<100000x768xf32, #tpu.memory_space<hbm>>) target(%arg8 : memref<16x768xf32, #tpu.memory_space<vmem>>) offsets(%dma_start3A_219 : memref<16xi32, #tpu.memory_space<vmem>>) semaphore(%arg14 : memref<!tpu.dma_semaphore, #tpu.memory_space<semaphore_mem>>)
    %dma_wait3A_223 = arith.constant 80 : i32
    %dma_wait3A_224 = tpu.memref_slice %arg6[%dma_wait3A_223] : memref<256xi32, #tpu.memory_space<vmem>> -> memref<16xi32, #tpu.memory_space<vmem>>
    %dma_wait3A_225 = arith.constant 0 : i32
    %dma_wait3A_226 = arith.constant 0 : i32
    %dma_wait3A_227 = tpu.memref_slice %arg3[%dma_wait3A_225, %dma_wait3A_226] : memref<100000x768xf32, #tpu.memory_space<hbm>> -> memref<100000x768xf32, #tpu.memory_space<hbm>>
    tpu.wait_indirect_dma semaphore(%arg15 : memref<!tpu.dma_semaphore, #tpu.memory_space<semaphore_mem>>) src(%dma_wait3A_227 : memref<100000x768xf32, #tpu.memory_space<hbm>>) dst(%arg9 : memref<16x768xf32, #tpu.memory_space<vmem>>)
    %dma_wait3A_228 = arith.constant 0 : i32
    %dma_wait3A_229 = tpu.memref_slice %arg7[%add3A_165, %dma_wait3A_228] : memref<1024x768xf32, #tpu.memory_space<vmem_shared>> -> memref<16x768xf32, #tpu.memory_space<vmem_shared>>
    %dma_wait3A_230 = arith.constant 0 : i32
    %dma_wait3A_231 = tpu.memref_slice %arg7[%add3A_165, %dma_wait3A_230] : memref<1024x768xf32, #tpu.memory_space<vmem_shared>> -> memref<16x768xf32, #tpu.memory_space<vmem_shared>>
    tpu.wait_dma2 semaphore(%arg19 : memref<!tpu.dma_semaphore, #tpu.memory_space<semaphore_mem>>) src(%dma_wait3A_231 : memref<16x768xf32, #tpu.memory_space<vmem_shared>>) dst(%arg13 : memref<16x768xf32, #tpu.memory_space<vmem>>)
    %add3A_232 = arith.constant 112 : i32
    %add3A_233 = arith.addi %mul3A_36, %add3A_232 : i32
    %dma_start3A_234 = arith.constant 0 : i32
    %dma_start3A_235 = tpu.memref_slice %arg7[%add3A_233, %dma_start3A_234] : memref<1024x768xf32, #tpu.memory_space<vmem_shared>> -> memref<16x768xf32, #tpu.memory_space<vmem_shared>>
    %dma_start3A_236 = arith.constant 0 : i32
    %dma_start3A_237 = tpu.memref_slice %arg7[%add3A_233, %dma_start3A_236] : memref<1024x768xf32, #tpu.memory_space<vmem_shared>> -> memref<16x768xf32, #tpu.memory_space<vmem_shared>>
    tpu.enqueue_dma source(%dma_start3A_237 : memref<16x768xf32, #tpu.memory_space<vmem_shared>>) target(%arg13 : memref<16x768xf32, #tpu.memory_space<vmem>>) target_semaphore(%arg19 : memref<!tpu.dma_semaphore, #tpu.memory_space<semaphore_mem>>)
    %add3A_238 = arith.constant 80 : i32
    %add3A_239 = arith.addi %rem3A_4, %add3A_238 : i32
    %dma_start3A_240 = arith.constant 0 : i32
    %dma_start3A_241 = tpu.memref_slice %arg5[%div3A_3, %add3A_239, %dma_start3A_240] : memref<4x2048x768xf32, #tpu.memory_space<hbm>> -> memref<1x16x768xf32, #tpu.memory_space<hbm>>
    %dma_start3A_242 = tpu.memref_squeeze %dma_start3A_241 : memref<1x16x768xf32, #tpu.memory_space<hbm>> -> memref<16x768xf32, #tpu.memory_space<hbm>>
    %dma_start3A_243 = arith.constant 0 : i32
    %dma_start3A_244 = tpu.memref_slice %arg5[%div3A_3, %add3A_239, %dma_start3A_243] : memref<4x2048x768xf32, #tpu.memory_space<hbm>> -> memref<1x16x768xf32, #tpu.memory_space<hbm>>
    %dma_start3A_245 = tpu.memref_squeeze %dma_start3A_244 : memref<1x16x768xf32, #tpu.memory_space<hbm>> -> memref<16x768xf32, #tpu.memory_space<hbm>>
    tpu.enqueue_dma source(%arg9 : memref<16x768xf32, #tpu.memory_space<vmem>>) target(%dma_start3A_245 : memref<16x768xf32, #tpu.memory_space<hbm>>) target_semaphore(%arg21 : memref<!tpu.dma_semaphore, #tpu.memory_space<semaphore_mem>>)
    %dma_wait3A_246 = arith.constant 0 : i32
    %dma_wait3A_247 = tpu.memref_slice %arg5[%div3A_3, %add3A_239, %dma_wait3A_246] : memref<4x2048x768xf32, #tpu.memory_space<hbm>> -> memref<1x16x768xf32, #tpu.memory_space<hbm>>
    %dma_wait3A_248 = tpu.memref_squeeze %dma_wait3A_247 : memref<1x16x768xf32, #tpu.memory_space<hbm>> -> memref<16x768xf32, #tpu.memory_space<hbm>>
    %dma_wait3A_249 = arith.constant 0 : i32
    %dma_wait3A_250 = tpu.memref_slice %arg5[%div3A_3, %add3A_239, %dma_wait3A_249] : memref<4x2048x768xf32, #tpu.memory_space<hbm>> -> memref<1x16x768xf32, #tpu.memory_space<hbm>>
    %dma_wait3A_251 = tpu.memref_squeeze %dma_wait3A_250 : memref<1x16x768xf32, #tpu.memory_space<hbm>> -> memref<16x768xf32, #tpu.memory_space<hbm>>
    tpu.wait_dma2 semaphore(%arg21 : memref<!tpu.dma_semaphore, #tpu.memory_space<semaphore_mem>>) src(%arg9 : memref<16x768xf32, #tpu.memory_space<vmem>>) dst(%dma_wait3A_251 : memref<16x768xf32, #tpu.memory_space<hbm>>)
    %dma_start3A_252 = arith.constant 144 : i32
    %dma_start3A_253 = tpu.memref_slice %arg6[%dma_start3A_252] : memref<256xi32, #tpu.memory_space<vmem>> -> memref<16xi32, #tpu.memory_space<vmem>>
    %dma_start3A_254 = arith.constant 0 : i32
    %dma_start3A_255 = arith.constant 0 : i32
    %dma_start3A_256 = tpu.memref_slice %arg3[%dma_start3A_254, %dma_start3A_255] : memref<100000x768xf32, #tpu.memory_space<hbm>> -> memref<100000x768xf32, #tpu.memory_space<hbm>>
    tpu.enqueue_indirect_dma source(%dma_start3A_256 : memref<100000x768xf32, #tpu.memory_space<hbm>>) target(%arg9 : memref<16x768xf32, #tpu.memory_space<vmem>>) offsets(%dma_start3A_253 : memref<16xi32, #tpu.memory_space<vmem>>) semaphore(%arg15 : memref<!tpu.dma_semaphore, #tpu.memory_space<semaphore_mem>>)
    %dma_wait3A_257 = arith.constant 96 : i32
    %dma_wait3A_258 = tpu.memref_slice %arg6[%dma_wait3A_257] : memref<256xi32, #tpu.memory_space<vmem>> -> memref<16xi32, #tpu.memory_space<vmem>>
    %dma_wait3A_259 = arith.constant 0 : i32
    %dma_wait3A_260 = arith.constant 0 : i32
    %dma_wait3A_261 = tpu.memref_slice %arg3[%dma_wait3A_259, %dma_wait3A_260] : memref<100000x768xf32, #tpu.memory_space<hbm>> -> memref<100000x768xf32, #tpu.memory_space<hbm>>
    tpu.wait_indirect_dma semaphore(%arg16 : memref<!tpu.dma_semaphore, #tpu.memory_space<semaphore_mem>>) src(%dma_wait3A_261 : memref<100000x768xf32, #tpu.memory_space<hbm>>) dst(%arg10 : memref<16x768xf32, #tpu.memory_space<vmem>>)
    %dma_wait3A_262 = arith.constant 0 : i32
    %dma_wait3A_263 = tpu.memref_slice %arg7[%add3A_199, %dma_wait3A_262] : memref<1024x768xf32, #tpu.memory_space<vmem_shared>> -> memref<16x768xf32, #tpu.memory_space<vmem_shared>>
    %dma_wait3A_264 = arith.constant 0 : i32
    %dma_wait3A_265 = tpu.memref_slice %arg7[%add3A_199, %dma_wait3A_264] : memref<1024x768xf32, #tpu.memory_space<vmem_shared>> -> memref<16x768xf32, #tpu.memory_space<vmem_shared>>
    tpu.wait_dma2 semaphore(%arg18 : memref<!tpu.dma_semaphore, #tpu.memory_space<semaphore_mem>>) src(%dma_wait3A_265 : memref<16x768xf32, #tpu.memory_space<vmem_shared>>) dst(%arg12 : memref<16x768xf32, #tpu.memory_space<vmem>>)
    %add3A_266 = arith.constant 128 : i32
    %add3A_267 = arith.addi %mul3A_36, %add3A_266 : i32
    %dma_start3A_268 = arith.constant 0 : i32
    %dma_start3A_269 = tpu.memref_slice %arg7[%add3A_267, %dma_start3A_268] : memref<1024x768xf32, #tpu.memory_space<vmem_shared>> -> memref<16x768xf32, #tpu.memory_space<vmem_shared>>
    %dma_start3A_270 = arith.constant 0 : i32
    %dma_start3A_271 = tpu.memref_slice %arg7[%add3A_267, %dma_start3A_270] : memref<1024x768xf32, #tpu.memory_space<vmem_shared>> -> memref<16x768xf32, #tpu.memory_space<vmem_shared>>
    tpu.enqueue_dma source(%dma_start3A_271 : memref<16x768xf32, #tpu.memory_space<vmem_shared>>) target(%arg12 : memref<16x768xf32, #tpu.memory_space<vmem>>) target_semaphore(%arg18 : memref<!tpu.dma_semaphore, #tpu.memory_space<semaphore_mem>>)
    %add3A_272 = arith.constant 96 : i32
    %add3A_273 = arith.addi %rem3A_4, %add3A_272 : i32
    %dma_start3A_274 = arith.constant 0 : i32
    %dma_start3A_275 = tpu.memref_slice %arg5[%div3A_3, %add3A_273, %dma_start3A_274] : memref<4x2048x768xf32, #tpu.memory_space<hbm>> -> memref<1x16x768xf32, #tpu.memory_space<hbm>>
    %dma_start3A_276 = tpu.memref_squeeze %dma_start3A_275 : memref<1x16x768xf32, #tpu.memory_space<hbm>> -> memref<16x768xf32, #tpu.memory_space<hbm>>
    %dma_start3A_277 = arith.constant 0 : i32
    %dma_start3A_278 = tpu.memref_slice %arg5[%div3A_3, %add3A_273, %dma_start3A_277] : memref<4x2048x768xf32, #tpu.memory_space<hbm>> -> memref<1x16x768xf32, #tpu.memory_space<hbm>>
    %dma_start3A_279 = tpu.memref_squeeze %dma_start3A_278 : memref<1x16x768xf32, #tpu.memory_space<hbm>> -> memref<16x768xf32, #tpu.memory_space<hbm>>
    tpu.enqueue_dma source(%arg10 : memref<16x768xf32, #tpu.memory_space<vmem>>) target(%dma_start3A_279 : memref<16x768xf32, #tpu.memory_space<hbm>>) target_semaphore(%arg22 : memref<!tpu.dma_semaphore, #tpu.memory_space<semaphore_mem>>)
    %dma_wait3A_280 = arith.constant 0 : i32
    %dma_wait3A_281 = tpu.memref_slice %arg5[%div3A_3, %add3A_273, %dma_wait3A_280] : memref<4x2048x768xf32, #tpu.memory_space<hbm>> -> memref<1x16x768xf32, #tpu.memory_space<hbm>>
    %dma_wait3A_282 = tpu.memref_squeeze %dma_wait3A_281 : memref<1x16x768xf32, #tpu.memory_space<hbm>> -> memref<16x768xf32, #tpu.memory_space<hbm>>
    %dma_wait3A_283 = arith.constant 0 : i32
    %dma_wait3A_284 = tpu.memref_slice %arg5[%div3A_3, %add3A_273, %dma_wait3A_283] : memref<4x2048x768xf32, #tpu.memory_space<hbm>> -> memref<1x16x768xf32, #tpu.memory_space<hbm>>
    %dma_wait3A_285 = tpu.memref_squeeze %dma_wait3A_284 : memref<1x16x768xf32, #tpu.memory_space<hbm>> -> memref<16x768xf32, #tpu.memory_space<hbm>>
    tpu.wait_dma2 semaphore(%arg22 : memref<!tpu.dma_semaphore, #tpu.memory_space<semaphore_mem>>) src(%arg10 : memref<16x768xf32, #tpu.memory_space<vmem>>) dst(%dma_wait3A_285 : memref<16x768xf32, #tpu.memory_space<hbm>>)
    %dma_start3A_286 = arith.constant 160 : i32
    %dma_start3A_287 = tpu.memref_slice %arg6[%dma_start3A_286] : memref<256xi32, #tpu.memory_space<vmem>> -> memref<16xi32, #tpu.memory_space<vmem>>
    %dma_start3A_288 = arith.constant 0 : i32
    %dma_start3A_289 = arith.constant 0 : i32
    %dma_start3A_290 = tpu.memref_slice %arg3[%dma_start3A_288, %dma_start3A_289] : memref<100000x768xf32, #tpu.memory_space<hbm>> -> memref<100000x768xf32, #tpu.memory_space<hbm>>
    tpu.enqueue_indirect_dma source(%dma_start3A_290 : memref<100000x768xf32, #tpu.memory_space<hbm>>) target(%arg10 : memref<16x768xf32, #tpu.memory_space<vmem>>) offsets(%dma_start3A_287 : memref<16xi32, #tpu.memory_space<vmem>>) semaphore(%arg16 : memref<!tpu.dma_semaphore, #tpu.memory_space<semaphore_mem>>)
    %dma_wait3A_291 = arith.constant 112 : i32
    %dma_wait3A_292 = tpu.memref_slice %arg6[%dma_wait3A_291] : memref<256xi32, #tpu.memory_space<vmem>> -> memref<16xi32, #tpu.memory_space<vmem>>
    %dma_wait3A_293 = arith.constant 0 : i32
    %dma_wait3A_294 = arith.constant 0 : i32
    %dma_wait3A_295 = tpu.memref_slice %arg3[%dma_wait3A_293, %dma_wait3A_294] : memref<100000x768xf32, #tpu.memory_space<hbm>> -> memref<100000x768xf32, #tpu.memory_space<hbm>>
    tpu.wait_indirect_dma semaphore(%arg17 : memref<!tpu.dma_semaphore, #tpu.memory_space<semaphore_mem>>) src(%dma_wait3A_295 : memref<100000x768xf32, #tpu.memory_space<hbm>>) dst(%arg11 : memref<16x768xf32, #tpu.memory_space<vmem>>)
    %dma_wait3A_296 = arith.constant 0 : i32
    %dma_wait3A_297 = tpu.memref_slice %arg7[%add3A_233, %dma_wait3A_296] : memref<1024x768xf32, #tpu.memory_space<vmem_shared>> -> memref<16x768xf32, #tpu.memory_space<vmem_shared>>
    %dma_wait3A_298 = arith.constant 0 : i32
    %dma_wait3A_299 = tpu.memref_slice %arg7[%add3A_233, %dma_wait3A_298] : memref<1024x768xf32, #tpu.memory_space<vmem_shared>> -> memref<16x768xf32, #tpu.memory_space<vmem_shared>>
    tpu.wait_dma2 semaphore(%arg19 : memref<!tpu.dma_semaphore, #tpu.memory_space<semaphore_mem>>) src(%dma_wait3A_299 : memref<16x768xf32, #tpu.memory_space<vmem_shared>>) dst(%arg13 : memref<16x768xf32, #tpu.memory_space<vmem>>)
    %add3A_300 = arith.constant 144 : i32
    %add3A_301 = arith.addi %mul3A_36, %add3A_300 : i32
    %dma_start3A_302 = arith.constant 0 : i32
    %dma_start3A_303 = tpu.memref_slice %arg7[%add3A_301, %dma_start3A_302] : memref<1024x768xf32, #tpu.memory_space<vmem_shared>> -> memref<16x768xf32, #tpu.memory_space<vmem_shared>>
    %dma_start3A_304 = arith.constant 0 : i32
    %dma_start3A_305 = tpu.memref_slice %arg7[%add3A_301, %dma_start3A_304] : memref<1024x768xf32, #tpu.memory_space<vmem_shared>> -> memref<16x768xf32, #tpu.memory_space<vmem_shared>>
    tpu.enqueue_dma source(%dma_start3A_305 : memref<16x768xf32, #tpu.memory_space<vmem_shared>>) target(%arg13 : memref<16x768xf32, #tpu.memory_space<vmem>>) target_semaphore(%arg19 : memref<!tpu.dma_semaphore, #tpu.memory_space<semaphore_mem>>)
    %add3A_306 = arith.constant 112 : i32
    %add3A_307 = arith.addi %rem3A_4, %add3A_306 : i32
    %dma_start3A_308 = arith.constant 0 : i32
    %dma_start3A_309 = tpu.memref_slice %arg5[%div3A_3, %add3A_307, %dma_start3A_308] : memref<4x2048x768xf32, #tpu.memory_space<hbm>> -> memref<1x16x768xf32, #tpu.memory_space<hbm>>
    %dma_start3A_310 = tpu.memref_squeeze %dma_start3A_309 : memref<1x16x768xf32, #tpu.memory_space<hbm>> -> memref<16x768xf32, #tpu.memory_space<hbm>>
    %dma_start3A_311 = arith.constant 0 : i32
    %dma_start3A_312 = tpu.memref_slice %arg5[%div3A_3, %add3A_307, %dma_start3A_311] : memref<4x2048x768xf32, #tpu.memory_space<hbm>> -> memref<1x16x768xf32, #tpu.memory_space<hbm>>
    %dma_start3A_313 = tpu.memref_squeeze %dma_start3A_312 : memref<1x16x768xf32, #tpu.memory_space<hbm>> -> memref<16x768xf32, #tpu.memory_space<hbm>>
    tpu.enqueue_dma source(%arg11 : memref<16x768xf32, #tpu.memory_space<vmem>>) target(%dma_start3A_313 : memref<16x768xf32, #tpu.memory_space<hbm>>) target_semaphore(%arg23 : memref<!tpu.dma_semaphore, #tpu.memory_space<semaphore_mem>>)
    %dma_wait3A_314 = arith.constant 0 : i32
    %dma_wait3A_315 = tpu.memref_slice %arg5[%div3A_3, %add3A_307, %dma_wait3A_314] : memref<4x2048x768xf32, #tpu.memory_space<hbm>> -> memref<1x16x768xf32, #tpu.memory_space<hbm>>
    %dma_wait3A_316 = tpu.memref_squeeze %dma_wait3A_315 : memref<1x16x768xf32, #tpu.memory_space<hbm>> -> memref<16x768xf32, #tpu.memory_space<hbm>>
    %dma_wait3A_317 = arith.constant 0 : i32
    %dma_wait3A_318 = tpu.memref_slice %arg5[%div3A_3, %add3A_307, %dma_wait3A_317] : memref<4x2048x768xf32, #tpu.memory_space<hbm>> -> memref<1x16x768xf32, #tpu.memory_space<hbm>>
    %dma_wait3A_319 = tpu.memref_squeeze %dma_wait3A_318 : memref<1x16x768xf32, #tpu.memory_space<hbm>> -> memref<16x768xf32, #tpu.memory_space<hbm>>
    tpu.wait_dma2 semaphore(%arg23 : memref<!tpu.dma_semaphore, #tpu.memory_space<semaphore_mem>>) src(%arg11 : memref<16x768xf32, #tpu.memory_space<vmem>>) dst(%dma_wait3A_319 : memref<16x768xf32, #tpu.memory_space<hbm>>)
    %dma_start3A_320 = arith.constant 176 : i32
    %dma_start3A_321 = tpu.memref_slice %arg6[%dma_start3A_320] : memref<256xi32, #tpu.memory_space<vmem>> -> memref<16xi32, #tpu.memory_space<vmem>>
    %dma_start3A_322 = arith.constant 0 : i32
    %dma_start3A_323 = arith.constant 0 : i32
    %dma_start3A_324 = tpu.memref_slice %arg3[%dma_start3A_322, %dma_start3A_323] : memref<100000x768xf32, #tpu.memory_space<hbm>> -> memref<100000x768xf32, #tpu.memory_space<hbm>>
    tpu.enqueue_indirect_dma source(%dma_start3A_324 : memref<100000x768xf32, #tpu.memory_space<hbm>>) target(%arg11 : memref<16x768xf32, #tpu.memory_space<vmem>>) offsets(%dma_start3A_321 : memref<16xi32, #tpu.memory_space<vmem>>) semaphore(%arg17 : memref<!tpu.dma_semaphore, #tpu.memory_space<semaphore_mem>>)
    %dma_wait3A_325 = arith.constant 128 : i32
    %dma_wait3A_326 = tpu.memref_slice %arg6[%dma_wait3A_325] : memref<256xi32, #tpu.memory_space<vmem>> -> memref<16xi32, #tpu.memory_space<vmem>>
    %dma_wait3A_327 = arith.constant 0 : i32
    %dma_wait3A_328 = arith.constant 0 : i32
    %dma_wait3A_329 = tpu.memref_slice %arg3[%dma_wait3A_327, %dma_wait3A_328] : memref<100000x768xf32, #tpu.memory_space<hbm>> -> memref<100000x768xf32, #tpu.memory_space<hbm>>
    tpu.wait_indirect_dma semaphore(%arg14 : memref<!tpu.dma_semaphore, #tpu.memory_space<semaphore_mem>>) src(%dma_wait3A_329 : memref<100000x768xf32, #tpu.memory_space<hbm>>) dst(%arg8 : memref<16x768xf32, #tpu.memory_space<vmem>>)
    %dma_wait3A_330 = arith.constant 0 : i32
    %dma_wait3A_331 = tpu.memref_slice %arg7[%add3A_267, %dma_wait3A_330] : memref<1024x768xf32, #tpu.memory_space<vmem_shared>> -> memref<16x768xf32, #tpu.memory_space<vmem_shared>>
    %dma_wait3A_332 = arith.constant 0 : i32
    %dma_wait3A_333 = tpu.memref_slice %arg7[%add3A_267, %dma_wait3A_332] : memref<1024x768xf32, #tpu.memory_space<vmem_shared>> -> memref<16x768xf32, #tpu.memory_space<vmem_shared>>
    tpu.wait_dma2 semaphore(%arg18 : memref<!tpu.dma_semaphore, #tpu.memory_space<semaphore_mem>>) src(%dma_wait3A_333 : memref<16x768xf32, #tpu.memory_space<vmem_shared>>) dst(%arg12 : memref<16x768xf32, #tpu.memory_space<vmem>>)
    %add3A_334 = arith.constant 160 : i32
    %add3A_335 = arith.addi %mul3A_36, %add3A_334 : i32
    %dma_start3A_336 = arith.constant 0 : i32
    %dma_start3A_337 = tpu.memref_slice %arg7[%add3A_335, %dma_start3A_336] : memref<1024x768xf32, #tpu.memory_space<vmem_shared>> -> memref<16x768xf32, #tpu.memory_space<vmem_shared>>
    %dma_start3A_338 = arith.constant 0 : i32
    %dma_start3A_339 = tpu.memref_slice %arg7[%add3A_335, %dma_start3A_338] : memref<1024x768xf32, #tpu.memory_space<vmem_shared>> -> memref<16x768xf32, #tpu.memory_space<vmem_shared>>
    tpu.enqueue_dma source(%dma_start3A_339 : memref<16x768xf32, #tpu.memory_space<vmem_shared>>) target(%arg12 : memref<16x768xf32, #tpu.memory_space<vmem>>) target_semaphore(%arg18 : memref<!tpu.dma_semaphore, #tpu.memory_space<semaphore_mem>>)
    %add3A_340 = arith.constant 128 : i32
    %add3A_341 = arith.addi %rem3A_4, %add3A_340 : i32
    %dma_start3A_342 = arith.constant 0 : i32
    %dma_start3A_343 = tpu.memref_slice %arg5[%div3A_3, %add3A_341, %dma_start3A_342] : memref<4x2048x768xf32, #tpu.memory_space<hbm>> -> memref<1x16x768xf32, #tpu.memory_space<hbm>>
    %dma_start3A_344 = tpu.memref_squeeze %dma_start3A_343 : memref<1x16x768xf32, #tpu.memory_space<hbm>> -> memref<16x768xf32, #tpu.memory_space<hbm>>
    %dma_start3A_345 = arith.constant 0 : i32
    %dma_start3A_346 = tpu.memref_slice %arg5[%div3A_3, %add3A_341, %dma_start3A_345] : memref<4x2048x768xf32, #tpu.memory_space<hbm>> -> memref<1x16x768xf32, #tpu.memory_space<hbm>>
    %dma_start3A_347 = tpu.memref_squeeze %dma_start3A_346 : memref<1x16x768xf32, #tpu.memory_space<hbm>> -> memref<16x768xf32, #tpu.memory_space<hbm>>
    tpu.enqueue_dma source(%arg8 : memref<16x768xf32, #tpu.memory_space<vmem>>) target(%dma_start3A_347 : memref<16x768xf32, #tpu.memory_space<hbm>>) target_semaphore(%arg20 : memref<!tpu.dma_semaphore, #tpu.memory_space<semaphore_mem>>)
    %dma_wait3A_348 = arith.constant 0 : i32
    %dma_wait3A_349 = tpu.memref_slice %arg5[%div3A_3, %add3A_341, %dma_wait3A_348] : memref<4x2048x768xf32, #tpu.memory_space<hbm>> -> memref<1x16x768xf32, #tpu.memory_space<hbm>>
    %dma_wait3A_350 = tpu.memref_squeeze %dma_wait3A_349 : memref<1x16x768xf32, #tpu.memory_space<hbm>> -> memref<16x768xf32, #tpu.memory_space<hbm>>
    %dma_wait3A_351 = arith.constant 0 : i32
    %dma_wait3A_352 = tpu.memref_slice %arg5[%div3A_3, %add3A_341, %dma_wait3A_351] : memref<4x2048x768xf32, #tpu.memory_space<hbm>> -> memref<1x16x768xf32, #tpu.memory_space<hbm>>
    %dma_wait3A_353 = tpu.memref_squeeze %dma_wait3A_352 : memref<1x16x768xf32, #tpu.memory_space<hbm>> -> memref<16x768xf32, #tpu.memory_space<hbm>>
    tpu.wait_dma2 semaphore(%arg20 : memref<!tpu.dma_semaphore, #tpu.memory_space<semaphore_mem>>) src(%arg8 : memref<16x768xf32, #tpu.memory_space<vmem>>) dst(%dma_wait3A_353 : memref<16x768xf32, #tpu.memory_space<hbm>>)
    %dma_start3A_354 = arith.constant 192 : i32
    %dma_start3A_355 = tpu.memref_slice %arg6[%dma_start3A_354] : memref<256xi32, #tpu.memory_space<vmem>> -> memref<16xi32, #tpu.memory_space<vmem>>
    %dma_start3A_356 = arith.constant 0 : i32
    %dma_start3A_357 = arith.constant 0 : i32
    %dma_start3A_358 = tpu.memref_slice %arg3[%dma_start3A_356, %dma_start3A_357] : memref<100000x768xf32, #tpu.memory_space<hbm>> -> memref<100000x768xf32, #tpu.memory_space<hbm>>
    tpu.enqueue_indirect_dma source(%dma_start3A_358 : memref<100000x768xf32, #tpu.memory_space<hbm>>) target(%arg8 : memref<16x768xf32, #tpu.memory_space<vmem>>) offsets(%dma_start3A_355 : memref<16xi32, #tpu.memory_space<vmem>>) semaphore(%arg14 : memref<!tpu.dma_semaphore, #tpu.memory_space<semaphore_mem>>)
    %dma_wait3A_359 = arith.constant 144 : i32
    %dma_wait3A_360 = tpu.memref_slice %arg6[%dma_wait3A_359] : memref<256xi32, #tpu.memory_space<vmem>> -> memref<16xi32, #tpu.memory_space<vmem>>
    %dma_wait3A_361 = arith.constant 0 : i32
    %dma_wait3A_362 = arith.constant 0 : i32
    %dma_wait3A_363 = tpu.memref_slice %arg3[%dma_wait3A_361, %dma_wait3A_362] : memref<100000x768xf32, #tpu.memory_space<hbm>> -> memref<100000x768xf32, #tpu.memory_space<hbm>>
    tpu.wait_indirect_dma semaphore(%arg15 : memref<!tpu.dma_semaphore, #tpu.memory_space<semaphore_mem>>) src(%dma_wait3A_363 : memref<100000x768xf32, #tpu.memory_space<hbm>>) dst(%arg9 : memref<16x768xf32, #tpu.memory_space<vmem>>)
    %dma_wait3A_364 = arith.constant 0 : i32
    %dma_wait3A_365 = tpu.memref_slice %arg7[%add3A_301, %dma_wait3A_364] : memref<1024x768xf32, #tpu.memory_space<vmem_shared>> -> memref<16x768xf32, #tpu.memory_space<vmem_shared>>
    %dma_wait3A_366 = arith.constant 0 : i32
    %dma_wait3A_367 = tpu.memref_slice %arg7[%add3A_301, %dma_wait3A_366] : memref<1024x768xf32, #tpu.memory_space<vmem_shared>> -> memref<16x768xf32, #tpu.memory_space<vmem_shared>>
    tpu.wait_dma2 semaphore(%arg19 : memref<!tpu.dma_semaphore, #tpu.memory_space<semaphore_mem>>) src(%dma_wait3A_367 : memref<16x768xf32, #tpu.memory_space<vmem_shared>>) dst(%arg13 : memref<16x768xf32, #tpu.memory_space<vmem>>)
    %add3A_368 = arith.constant 176 : i32
    %add3A_369 = arith.addi %mul3A_36, %add3A_368 : i32
    %dma_start3A_370 = arith.constant 0 : i32
    %dma_start3A_371 = tpu.memref_slice %arg7[%add3A_369, %dma_start3A_370] : memref<1024x768xf32, #tpu.memory_space<vmem_shared>> -> memref<16x768xf32, #tpu.memory_space<vmem_shared>>
    %dma_start3A_372 = arith.constant 0 : i32
    %dma_start3A_373 = tpu.memref_slice %arg7[%add3A_369, %dma_start3A_372] : memref<1024x768xf32, #tpu.memory_space<vmem_shared>> -> memref<16x768xf32, #tpu.memory_space<vmem_shared>>
    tpu.enqueue_dma source(%dma_start3A_373 : memref<16x768xf32, #tpu.memory_space<vmem_shared>>) target(%arg13 : memref<16x768xf32, #tpu.memory_space<vmem>>) target_semaphore(%arg19 : memref<!tpu.dma_semaphore, #tpu.memory_space<semaphore_mem>>)
    %add3A_374 = arith.constant 144 : i32
    %add3A_375 = arith.addi %rem3A_4, %add3A_374 : i32
    %dma_start3A_376 = arith.constant 0 : i32
    %dma_start3A_377 = tpu.memref_slice %arg5[%div3A_3, %add3A_375, %dma_start3A_376] : memref<4x2048x768xf32, #tpu.memory_space<hbm>> -> memref<1x16x768xf32, #tpu.memory_space<hbm>>
    %dma_start3A_378 = tpu.memref_squeeze %dma_start3A_377 : memref<1x16x768xf32, #tpu.memory_space<hbm>> -> memref<16x768xf32, #tpu.memory_space<hbm>>
    %dma_start3A_379 = arith.constant 0 : i32
    %dma_start3A_380 = tpu.memref_slice %arg5[%div3A_3, %add3A_375, %dma_start3A_379] : memref<4x2048x768xf32, #tpu.memory_space<hbm>> -> memref<1x16x768xf32, #tpu.memory_space<hbm>>
    %dma_start3A_381 = tpu.memref_squeeze %dma_start3A_380 : memref<1x16x768xf32, #tpu.memory_space<hbm>> -> memref<16x768xf32, #tpu.memory_space<hbm>>
    tpu.enqueue_dma source(%arg9 : memref<16x768xf32, #tpu.memory_space<vmem>>) target(%dma_start3A_381 : memref<16x768xf32, #tpu.memory_space<hbm>>) target_semaphore(%arg21 : memref<!tpu.dma_semaphore, #tpu.memory_space<semaphore_mem>>)
    %dma_wait3A_382 = arith.constant 0 : i32
    %dma_wait3A_383 = tpu.memref_slice %arg5[%div3A_3, %add3A_375, %dma_wait3A_382] : memref<4x2048x768xf32, #tpu.memory_space<hbm>> -> memref<1x16x768xf32, #tpu.memory_space<hbm>>
    %dma_wait3A_384 = tpu.memref_squeeze %dma_wait3A_383 : memref<1x16x768xf32, #tpu.memory_space<hbm>> -> memref<16x768xf32, #tpu.memory_space<hbm>>
    %dma_wait3A_385 = arith.constant 0 : i32
    %dma_wait3A_386 = tpu.memref_slice %arg5[%div3A_3, %add3A_375, %dma_wait3A_385] : memref<4x2048x768xf32, #tpu.memory_space<hbm>> -> memref<1x16x768xf32, #tpu.memory_space<hbm>>
    %dma_wait3A_387 = tpu.memref_squeeze %dma_wait3A_386 : memref<1x16x768xf32, #tpu.memory_space<hbm>> -> memref<16x768xf32, #tpu.memory_space<hbm>>
    tpu.wait_dma2 semaphore(%arg21 : memref<!tpu.dma_semaphore, #tpu.memory_space<semaphore_mem>>) src(%arg9 : memref<16x768xf32, #tpu.memory_space<vmem>>) dst(%dma_wait3A_387 : memref<16x768xf32, #tpu.memory_space<hbm>>)
    %dma_start3A_388 = arith.constant 208 : i32
    %dma_start3A_389 = tpu.memref_slice %arg6[%dma_start3A_388] : memref<256xi32, #tpu.memory_space<vmem>> -> memref<16xi32, #tpu.memory_space<vmem>>
    %dma_start3A_390 = arith.constant 0 : i32
    %dma_start3A_391 = arith.constant 0 : i32
    %dma_start3A_392 = tpu.memref_slice %arg3[%dma_start3A_390, %dma_start3A_391] : memref<100000x768xf32, #tpu.memory_space<hbm>> -> memref<100000x768xf32, #tpu.memory_space<hbm>>
    tpu.enqueue_indirect_dma source(%dma_start3A_392 : memref<100000x768xf32, #tpu.memory_space<hbm>>) target(%arg9 : memref<16x768xf32, #tpu.memory_space<vmem>>) offsets(%dma_start3A_389 : memref<16xi32, #tpu.memory_space<vmem>>) semaphore(%arg15 : memref<!tpu.dma_semaphore, #tpu.memory_space<semaphore_mem>>)
    %dma_wait3A_393 = arith.constant 160 : i32
    %dma_wait3A_394 = tpu.memref_slice %arg6[%dma_wait3A_393] : memref<256xi32, #tpu.memory_space<vmem>> -> memref<16xi32, #tpu.memory_space<vmem>>
    %dma_wait3A_395 = arith.constant 0 : i32
    %dma_wait3A_396 = arith.constant 0 : i32
    %dma_wait3A_397 = tpu.memref_slice %arg3[%dma_wait3A_395, %dma_wait3A_396] : memref<100000x768xf32, #tpu.memory_space<hbm>> -> memref<100000x768xf32, #tpu.memory_space<hbm>>
    tpu.wait_indirect_dma semaphore(%arg16 : memref<!tpu.dma_semaphore, #tpu.memory_space<semaphore_mem>>) src(%dma_wait3A_397 : memref<100000x768xf32, #tpu.memory_space<hbm>>) dst(%arg10 : memref<16x768xf32, #tpu.memory_space<vmem>>)
    %dma_wait3A_398 = arith.constant 0 : i32
    %dma_wait3A_399 = tpu.memref_slice %arg7[%add3A_335, %dma_wait3A_398] : memref<1024x768xf32, #tpu.memory_space<vmem_shared>> -> memref<16x768xf32, #tpu.memory_space<vmem_shared>>
    %dma_wait3A_400 = arith.constant 0 : i32
    %dma_wait3A_401 = tpu.memref_slice %arg7[%add3A_335, %dma_wait3A_400] : memref<1024x768xf32, #tpu.memory_space<vmem_shared>> -> memref<16x768xf32, #tpu.memory_space<vmem_shared>>
    tpu.wait_dma2 semaphore(%arg18 : memref<!tpu.dma_semaphore, #tpu.memory_space<semaphore_mem>>) src(%dma_wait3A_401 : memref<16x768xf32, #tpu.memory_space<vmem_shared>>) dst(%arg12 : memref<16x768xf32, #tpu.memory_space<vmem>>)
    %add3A_402 = arith.constant 192 : i32
    %add3A_403 = arith.addi %mul3A_36, %add3A_402 : i32
    %dma_start3A_404 = arith.constant 0 : i32
    %dma_start3A_405 = tpu.memref_slice %arg7[%add3A_403, %dma_start3A_404] : memref<1024x768xf32, #tpu.memory_space<vmem_shared>> -> memref<16x768xf32, #tpu.memory_space<vmem_shared>>
    %dma_start3A_406 = arith.constant 0 : i32
    %dma_start3A_407 = tpu.memref_slice %arg7[%add3A_403, %dma_start3A_406] : memref<1024x768xf32, #tpu.memory_space<vmem_shared>> -> memref<16x768xf32, #tpu.memory_space<vmem_shared>>
    tpu.enqueue_dma source(%dma_start3A_407 : memref<16x768xf32, #tpu.memory_space<vmem_shared>>) target(%arg12 : memref<16x768xf32, #tpu.memory_space<vmem>>) target_semaphore(%arg18 : memref<!tpu.dma_semaphore, #tpu.memory_space<semaphore_mem>>)
    %add3A_408 = arith.constant 160 : i32
    %add3A_409 = arith.addi %rem3A_4, %add3A_408 : i32
    %dma_start3A_410 = arith.constant 0 : i32
    %dma_start3A_411 = tpu.memref_slice %arg5[%div3A_3, %add3A_409, %dma_start3A_410] : memref<4x2048x768xf32, #tpu.memory_space<hbm>> -> memref<1x16x768xf32, #tpu.memory_space<hbm>>
    %dma_start3A_412 = tpu.memref_squeeze %dma_start3A_411 : memref<1x16x768xf32, #tpu.memory_space<hbm>> -> memref<16x768xf32, #tpu.memory_space<hbm>>
    %dma_start3A_413 = arith.constant 0 : i32
    %dma_start3A_414 = tpu.memref_slice %arg5[%div3A_3, %add3A_409, %dma_start3A_413] : memref<4x2048x768xf32, #tpu.memory_space<hbm>> -> memref<1x16x768xf32, #tpu.memory_space<hbm>>
    %dma_start3A_415 = tpu.memref_squeeze %dma_start3A_414 : memref<1x16x768xf32, #tpu.memory_space<hbm>> -> memref<16x768xf32, #tpu.memory_space<hbm>>
    tpu.enqueue_dma source(%arg10 : memref<16x768xf32, #tpu.memory_space<vmem>>) target(%dma_start3A_415 : memref<16x768xf32, #tpu.memory_space<hbm>>) target_semaphore(%arg22 : memref<!tpu.dma_semaphore, #tpu.memory_space<semaphore_mem>>)
    %dma_wait3A_416 = arith.constant 0 : i32
    %dma_wait3A_417 = tpu.memref_slice %arg5[%div3A_3, %add3A_409, %dma_wait3A_416] : memref<4x2048x768xf32, #tpu.memory_space<hbm>> -> memref<1x16x768xf32, #tpu.memory_space<hbm>>
    %dma_wait3A_418 = tpu.memref_squeeze %dma_wait3A_417 : memref<1x16x768xf32, #tpu.memory_space<hbm>> -> memref<16x768xf32, #tpu.memory_space<hbm>>
    %dma_wait3A_419 = arith.constant 0 : i32
    %dma_wait3A_420 = tpu.memref_slice %arg5[%div3A_3, %add3A_409, %dma_wait3A_419] : memref<4x2048x768xf32, #tpu.memory_space<hbm>> -> memref<1x16x768xf32, #tpu.memory_space<hbm>>
    %dma_wait3A_421 = tpu.memref_squeeze %dma_wait3A_420 : memref<1x16x768xf32, #tpu.memory_space<hbm>> -> memref<16x768xf32, #tpu.memory_space<hbm>>
    tpu.wait_dma2 semaphore(%arg22 : memref<!tpu.dma_semaphore, #tpu.memory_space<semaphore_mem>>) src(%arg10 : memref<16x768xf32, #tpu.memory_space<vmem>>) dst(%dma_wait3A_421 : memref<16x768xf32, #tpu.memory_space<hbm>>)
    %dma_start3A_422 = arith.constant 224 : i32
    %dma_start3A_423 = tpu.memref_slice %arg6[%dma_start3A_422] : memref<256xi32, #tpu.memory_space<vmem>> -> memref<16xi32, #tpu.memory_space<vmem>>
    %dma_start3A_424 = arith.constant 0 : i32
    %dma_start3A_425 = arith.constant 0 : i32
    %dma_start3A_426 = tpu.memref_slice %arg3[%dma_start3A_424, %dma_start3A_425] : memref<100000x768xf32, #tpu.memory_space<hbm>> -> memref<100000x768xf32, #tpu.memory_space<hbm>>
    tpu.enqueue_indirect_dma source(%dma_start3A_426 : memref<100000x768xf32, #tpu.memory_space<hbm>>) target(%arg10 : memref<16x768xf32, #tpu.memory_space<vmem>>) offsets(%dma_start3A_423 : memref<16xi32, #tpu.memory_space<vmem>>) semaphore(%arg16 : memref<!tpu.dma_semaphore, #tpu.memory_space<semaphore_mem>>)
    %dma_wait3A_427 = arith.constant 176 : i32
    %dma_wait3A_428 = tpu.memref_slice %arg6[%dma_wait3A_427] : memref<256xi32, #tpu.memory_space<vmem>> -> memref<16xi32, #tpu.memory_space<vmem>>
    %dma_wait3A_429 = arith.constant 0 : i32
    %dma_wait3A_430 = arith.constant 0 : i32
    %dma_wait3A_431 = tpu.memref_slice %arg3[%dma_wait3A_429, %dma_wait3A_430] : memref<100000x768xf32, #tpu.memory_space<hbm>> -> memref<100000x768xf32, #tpu.memory_space<hbm>>
    tpu.wait_indirect_dma semaphore(%arg17 : memref<!tpu.dma_semaphore, #tpu.memory_space<semaphore_mem>>) src(%dma_wait3A_431 : memref<100000x768xf32, #tpu.memory_space<hbm>>) dst(%arg11 : memref<16x768xf32, #tpu.memory_space<vmem>>)
    %dma_wait3A_432 = arith.constant 0 : i32
    %dma_wait3A_433 = tpu.memref_slice %arg7[%add3A_369, %dma_wait3A_432] : memref<1024x768xf32, #tpu.memory_space<vmem_shared>> -> memref<16x768xf32, #tpu.memory_space<vmem_shared>>
    %dma_wait3A_434 = arith.constant 0 : i32
    %dma_wait3A_435 = tpu.memref_slice %arg7[%add3A_369, %dma_wait3A_434] : memref<1024x768xf32, #tpu.memory_space<vmem_shared>> -> memref<16x768xf32, #tpu.memory_space<vmem_shared>>
    tpu.wait_dma2 semaphore(%arg19 : memref<!tpu.dma_semaphore, #tpu.memory_space<semaphore_mem>>) src(%dma_wait3A_435 : memref<16x768xf32, #tpu.memory_space<vmem_shared>>) dst(%arg13 : memref<16x768xf32, #tpu.memory_space<vmem>>)
    %add3A_436 = arith.constant 208 : i32
    %add3A_437 = arith.addi %mul3A_36, %add3A_436 : i32
    %dma_start3A_438 = arith.constant 0 : i32
    %dma_start3A_439 = tpu.memref_slice %arg7[%add3A_437, %dma_start3A_438] : memref<1024x768xf32, #tpu.memory_space<vmem_shared>> -> memref<16x768xf32, #tpu.memory_space<vmem_shared>>
    %dma_start3A_440 = arith.constant 0 : i32
    %dma_start3A_441 = tpu.memref_slice %arg7[%add3A_437, %dma_start3A_440] : memref<1024x768xf32, #tpu.memory_space<vmem_shared>> -> memref<16x768xf32, #tpu.memory_space<vmem_shared>>
    tpu.enqueue_dma source(%dma_start3A_441 : memref<16x768xf32, #tpu.memory_space<vmem_shared>>) target(%arg13 : memref<16x768xf32, #tpu.memory_space<vmem>>) target_semaphore(%arg19 : memref<!tpu.dma_semaphore, #tpu.memory_space<semaphore_mem>>)
    %add3A_442 = arith.constant 176 : i32
    %add3A_443 = arith.addi %rem3A_4, %add3A_442 : i32
    %dma_start3A_444 = arith.constant 0 : i32
    %dma_start3A_445 = tpu.memref_slice %arg5[%div3A_3, %add3A_443, %dma_start3A_444] : memref<4x2048x768xf32, #tpu.memory_space<hbm>> -> memref<1x16x768xf32, #tpu.memory_space<hbm>>
    %dma_start3A_446 = tpu.memref_squeeze %dma_start3A_445 : memref<1x16x768xf32, #tpu.memory_space<hbm>> -> memref<16x768xf32, #tpu.memory_space<hbm>>
    %dma_start3A_447 = arith.constant 0 : i32
    %dma_start3A_448 = tpu.memref_slice %arg5[%div3A_3, %add3A_443, %dma_start3A_447] : memref<4x2048x768xf32, #tpu.memory_space<hbm>> -> memref<1x16x768xf32, #tpu.memory_space<hbm>>
    %dma_start3A_449 = tpu.memref_squeeze %dma_start3A_448 : memref<1x16x768xf32, #tpu.memory_space<hbm>> -> memref<16x768xf32, #tpu.memory_space<hbm>>
    tpu.enqueue_dma source(%arg11 : memref<16x768xf32, #tpu.memory_space<vmem>>) target(%dma_start3A_449 : memref<16x768xf32, #tpu.memory_space<hbm>>) target_semaphore(%arg23 : memref<!tpu.dma_semaphore, #tpu.memory_space<semaphore_mem>>)
    %dma_wait3A_450 = arith.constant 0 : i32
    %dma_wait3A_451 = tpu.memref_slice %arg5[%div3A_3, %add3A_443, %dma_wait3A_450] : memref<4x2048x768xf32, #tpu.memory_space<hbm>> -> memref<1x16x768xf32, #tpu.memory_space<hbm>>
    %dma_wait3A_452 = tpu.memref_squeeze %dma_wait3A_451 : memref<1x16x768xf32, #tpu.memory_space<hbm>> -> memref<16x768xf32, #tpu.memory_space<hbm>>
    %dma_wait3A_453 = arith.constant 0 : i32
    %dma_wait3A_454 = tpu.memref_slice %arg5[%div3A_3, %add3A_443, %dma_wait3A_453] : memref<4x2048x768xf32, #tpu.memory_space<hbm>> -> memref<1x16x768xf32, #tpu.memory_space<hbm>>
    %dma_wait3A_455 = tpu.memref_squeeze %dma_wait3A_454 : memref<1x16x768xf32, #tpu.memory_space<hbm>> -> memref<16x768xf32, #tpu.memory_space<hbm>>
    tpu.wait_dma2 semaphore(%arg23 : memref<!tpu.dma_semaphore, #tpu.memory_space<semaphore_mem>>) src(%arg11 : memref<16x768xf32, #tpu.memory_space<vmem>>) dst(%dma_wait3A_455 : memref<16x768xf32, #tpu.memory_space<hbm>>)
    %dma_start3A_456 = arith.constant 240 : i32
    %dma_start3A_457 = tpu.memref_slice %arg6[%dma_start3A_456] : memref<256xi32, #tpu.memory_space<vmem>> -> memref<16xi32, #tpu.memory_space<vmem>>
    %dma_start3A_458 = arith.constant 0 : i32
    %dma_start3A_459 = arith.constant 0 : i32
    %dma_start3A_460 = tpu.memref_slice %arg3[%dma_start3A_458, %dma_start3A_459] : memref<100000x768xf32, #tpu.memory_space<hbm>> -> memref<100000x768xf32, #tpu.memory_space<hbm>>
    tpu.enqueue_indirect_dma source(%dma_start3A_460 : memref<100000x768xf32, #tpu.memory_space<hbm>>) target(%arg11 : memref<16x768xf32, #tpu.memory_space<vmem>>) offsets(%dma_start3A_457 : memref<16xi32, #tpu.memory_space<vmem>>) semaphore(%arg17 : memref<!tpu.dma_semaphore, #tpu.memory_space<semaphore_mem>>)
    %dma_wait3A_461 = arith.constant 192 : i32
    %dma_wait3A_462 = tpu.memref_slice %arg6[%dma_wait3A_461] : memref<256xi32, #tpu.memory_space<vmem>> -> memref<16xi32, #tpu.memory_space<vmem>>
    %dma_wait3A_463 = arith.constant 0 : i32
    %dma_wait3A_464 = arith.constant 0 : i32
    %dma_wait3A_465 = tpu.memref_slice %arg3[%dma_wait3A_463, %dma_wait3A_464] : memref<100000x768xf32, #tpu.memory_space<hbm>> -> memref<100000x768xf32, #tpu.memory_space<hbm>>
    tpu.wait_indirect_dma semaphore(%arg14 : memref<!tpu.dma_semaphore, #tpu.memory_space<semaphore_mem>>) src(%dma_wait3A_465 : memref<100000x768xf32, #tpu.memory_space<hbm>>) dst(%arg8 : memref<16x768xf32, #tpu.memory_space<vmem>>)
    %dma_wait3A_466 = arith.constant 0 : i32
    %dma_wait3A_467 = tpu.memref_slice %arg7[%add3A_403, %dma_wait3A_466] : memref<1024x768xf32, #tpu.memory_space<vmem_shared>> -> memref<16x768xf32, #tpu.memory_space<vmem_shared>>
    %dma_wait3A_468 = arith.constant 0 : i32
    %dma_wait3A_469 = tpu.memref_slice %arg7[%add3A_403, %dma_wait3A_468] : memref<1024x768xf32, #tpu.memory_space<vmem_shared>> -> memref<16x768xf32, #tpu.memory_space<vmem_shared>>
    tpu.wait_dma2 semaphore(%arg18 : memref<!tpu.dma_semaphore, #tpu.memory_space<semaphore_mem>>) src(%dma_wait3A_469 : memref<16x768xf32, #tpu.memory_space<vmem_shared>>) dst(%arg12 : memref<16x768xf32, #tpu.memory_space<vmem>>)
    %add3A_470 = arith.constant 224 : i32
    %add3A_471 = arith.addi %mul3A_36, %add3A_470 : i32
    %dma_start3A_472 = arith.constant 0 : i32
    %dma_start3A_473 = tpu.memref_slice %arg7[%add3A_471, %dma_start3A_472] : memref<1024x768xf32, #tpu.memory_space<vmem_shared>> -> memref<16x768xf32, #tpu.memory_space<vmem_shared>>
    %dma_start3A_474 = arith.constant 0 : i32
    %dma_start3A_475 = tpu.memref_slice %arg7[%add3A_471, %dma_start3A_474] : memref<1024x768xf32, #tpu.memory_space<vmem_shared>> -> memref<16x768xf32, #tpu.memory_space<vmem_shared>>
    tpu.enqueue_dma source(%dma_start3A_475 : memref<16x768xf32, #tpu.memory_space<vmem_shared>>) target(%arg12 : memref<16x768xf32, #tpu.memory_space<vmem>>) target_semaphore(%arg18 : memref<!tpu.dma_semaphore, #tpu.memory_space<semaphore_mem>>)
    %add3A_476 = arith.constant 192 : i32
    %add3A_477 = arith.addi %rem3A_4, %add3A_476 : i32
    %dma_start3A_478 = arith.constant 0 : i32
    %dma_start3A_479 = tpu.memref_slice %arg5[%div3A_3, %add3A_477, %dma_start3A_478] : memref<4x2048x768xf32, #tpu.memory_space<hbm>> -> memref<1x16x768xf32, #tpu.memory_space<hbm>>
    %dma_start3A_480 = tpu.memref_squeeze %dma_start3A_479 : memref<1x16x768xf32, #tpu.memory_space<hbm>> -> memref<16x768xf32, #tpu.memory_space<hbm>>
    %dma_start3A_481 = arith.constant 0 : i32
    %dma_start3A_482 = tpu.memref_slice %arg5[%div3A_3, %add3A_477, %dma_start3A_481] : memref<4x2048x768xf32, #tpu.memory_space<hbm>> -> memref<1x16x768xf32, #tpu.memory_space<hbm>>
    %dma_start3A_483 = tpu.memref_squeeze %dma_start3A_482 : memref<1x16x768xf32, #tpu.memory_space<hbm>> -> memref<16x768xf32, #tpu.memory_space<hbm>>
    tpu.enqueue_dma source(%arg8 : memref<16x768xf32, #tpu.memory_space<vmem>>) target(%dma_start3A_483 : memref<16x768xf32, #tpu.memory_space<hbm>>) target_semaphore(%arg20 : memref<!tpu.dma_semaphore, #tpu.memory_space<semaphore_mem>>)
    %dma_wait3A_484 = arith.constant 208 : i32
    %dma_wait3A_485 = tpu.memref_slice %arg6[%dma_wait3A_484] : memref<256xi32, #tpu.memory_space<vmem>> -> memref<16xi32, #tpu.memory_space<vmem>>
    %dma_wait3A_486 = arith.constant 0 : i32
    %dma_wait3A_487 = arith.constant 0 : i32
    %dma_wait3A_488 = tpu.memref_slice %arg3[%dma_wait3A_486, %dma_wait3A_487] : memref<100000x768xf32, #tpu.memory_space<hbm>> -> memref<100000x768xf32, #tpu.memory_space<hbm>>
    tpu.wait_indirect_dma semaphore(%arg15 : memref<!tpu.dma_semaphore, #tpu.memory_space<semaphore_mem>>) src(%dma_wait3A_488 : memref<100000x768xf32, #tpu.memory_space<hbm>>) dst(%arg9 : memref<16x768xf32, #tpu.memory_space<vmem>>)
    %dma_wait3A_489 = arith.constant 0 : i32
    %dma_wait3A_490 = tpu.memref_slice %arg7[%add3A_437, %dma_wait3A_489] : memref<1024x768xf32, #tpu.memory_space<vmem_shared>> -> memref<16x768xf32, #tpu.memory_space<vmem_shared>>
    %dma_wait3A_491 = arith.constant 0 : i32
    %dma_wait3A_492 = tpu.memref_slice %arg7[%add3A_437, %dma_wait3A_491] : memref<1024x768xf32, #tpu.memory_space<vmem_shared>> -> memref<16x768xf32, #tpu.memory_space<vmem_shared>>
    tpu.wait_dma2 semaphore(%arg19 : memref<!tpu.dma_semaphore, #tpu.memory_space<semaphore_mem>>) src(%dma_wait3A_492 : memref<16x768xf32, #tpu.memory_space<vmem_shared>>) dst(%arg13 : memref<16x768xf32, #tpu.memory_space<vmem>>)
    %add3A_493 = arith.constant 240 : i32
    %add3A_494 = arith.addi %mul3A_36, %add3A_493 : i32
    %dma_start3A_495 = arith.constant 0 : i32
    %dma_start3A_496 = tpu.memref_slice %arg7[%add3A_494, %dma_start3A_495] : memref<1024x768xf32, #tpu.memory_space<vmem_shared>> -> memref<16x768xf32, #tpu.memory_space<vmem_shared>>
    %dma_start3A_497 = arith.constant 0 : i32
    %dma_start3A_498 = tpu.memref_slice %arg7[%add3A_494, %dma_start3A_497] : memref<1024x768xf32, #tpu.memory_space<vmem_shared>> -> memref<16x768xf32, #tpu.memory_space<vmem_shared>>
    tpu.enqueue_dma source(%dma_start3A_498 : memref<16x768xf32, #tpu.memory_space<vmem_shared>>) target(%arg13 : memref<16x768xf32, #tpu.memory_space<vmem>>) target_semaphore(%arg19 : memref<!tpu.dma_semaphore, #tpu.memory_space<semaphore_mem>>)
    %add3A_499 = arith.constant 208 : i32
    %add3A_500 = arith.addi %rem3A_4, %add3A_499 : i32
    %dma_start3A_501 = arith.constant 0 : i32
    %dma_start3A_502 = tpu.memref_slice %arg5[%div3A_3, %add3A_500, %dma_start3A_501] : memref<4x2048x768xf32, #tpu.memory_space<hbm>> -> memref<1x16x768xf32, #tpu.memory_space<hbm>>
    %dma_start3A_503 = tpu.memref_squeeze %dma_start3A_502 : memref<1x16x768xf32, #tpu.memory_space<hbm>> -> memref<16x768xf32, #tpu.memory_space<hbm>>
    %dma_start3A_504 = arith.constant 0 : i32
    %dma_start3A_505 = tpu.memref_slice %arg5[%div3A_3, %add3A_500, %dma_start3A_504] : memref<4x2048x768xf32, #tpu.memory_space<hbm>> -> memref<1x16x768xf32, #tpu.memory_space<hbm>>
    %dma_start3A_506 = tpu.memref_squeeze %dma_start3A_505 : memref<1x16x768xf32, #tpu.memory_space<hbm>> -> memref<16x768xf32, #tpu.memory_space<hbm>>
    tpu.enqueue_dma source(%arg9 : memref<16x768xf32, #tpu.memory_space<vmem>>) target(%dma_start3A_506 : memref<16x768xf32, #tpu.memory_space<hbm>>) target_semaphore(%arg21 : memref<!tpu.dma_semaphore, #tpu.memory_space<semaphore_mem>>)
    %dma_wait3A_507 = arith.constant 224 : i32
    %dma_wait3A_508 = tpu.memref_slice %arg6[%dma_wait3A_507] : memref<256xi32, #tpu.memory_space<vmem>> -> memref<16xi32, #tpu.memory_space<vmem>>
    %dma_wait3A_509 = arith.constant 0 : i32
    %dma_wait3A_510 = arith.constant 0 : i32
    %dma_wait3A_511 = tpu.memref_slice %arg3[%dma_wait3A_509, %dma_wait3A_510] : memref<100000x768xf32, #tpu.memory_space<hbm>> -> memref<100000x768xf32, #tpu.memory_space<hbm>>
    tpu.wait_indirect_dma semaphore(%arg16 : memref<!tpu.dma_semaphore, #tpu.memory_space<semaphore_mem>>) src(%dma_wait3A_511 : memref<100000x768xf32, #tpu.memory_space<hbm>>) dst(%arg10 : memref<16x768xf32, #tpu.memory_space<vmem>>)
    %dma_wait3A_512 = arith.constant 0 : i32
    %dma_wait3A_513 = tpu.memref_slice %arg7[%add3A_471, %dma_wait3A_512] : memref<1024x768xf32, #tpu.memory_space<vmem_shared>> -> memref<16x768xf32, #tpu.memory_space<vmem_shared>>
    %dma_wait3A_514 = arith.constant 0 : i32
    %dma_wait3A_515 = tpu.memref_slice %arg7[%add3A_471, %dma_wait3A_514] : memref<1024x768xf32, #tpu.memory_space<vmem_shared>> -> memref<16x768xf32, #tpu.memory_space<vmem_shared>>
    tpu.wait_dma2 semaphore(%arg18 : memref<!tpu.dma_semaphore, #tpu.memory_space<semaphore_mem>>) src(%dma_wait3A_515 : memref<16x768xf32, #tpu.memory_space<vmem_shared>>) dst(%arg12 : memref<16x768xf32, #tpu.memory_space<vmem>>)
    %add3A_516 = arith.constant 224 : i32
    %add3A_517 = arith.addi %rem3A_4, %add3A_516 : i32
    %dma_start3A_518 = arith.constant 0 : i32
    %dma_start3A_519 = tpu.memref_slice %arg5[%div3A_3, %add3A_517, %dma_start3A_518] : memref<4x2048x768xf32, #tpu.memory_space<hbm>> -> memref<1x16x768xf32, #tpu.memory_space<hbm>>
    %dma_start3A_520 = tpu.memref_squeeze %dma_start3A_519 : memref<1x16x768xf32, #tpu.memory_space<hbm>> -> memref<16x768xf32, #tpu.memory_space<hbm>>
    %dma_start3A_521 = arith.constant 0 : i32
    %dma_start3A_522 = tpu.memref_slice %arg5[%div3A_3, %add3A_517, %dma_start3A_521] : memref<4x2048x768xf32, #tpu.memory_space<hbm>> -> memref<1x16x768xf32, #tpu.memory_space<hbm>>
    %dma_start3A_523 = tpu.memref_squeeze %dma_start3A_522 : memref<1x16x768xf32, #tpu.memory_space<hbm>> -> memref<16x768xf32, #tpu.memory_space<hbm>>
    tpu.enqueue_dma source(%arg10 : memref<16x768xf32, #tpu.memory_space<vmem>>) target(%dma_start3A_523 : memref<16x768xf32, #tpu.memory_space<hbm>>) target_semaphore(%arg22 : memref<!tpu.dma_semaphore, #tpu.memory_space<semaphore_mem>>)
    %dma_wait3A_524 = arith.constant 240 : i32
    %dma_wait3A_525 = tpu.memref_slice %arg6[%dma_wait3A_524] : memref<256xi32, #tpu.memory_space<vmem>> -> memref<16xi32, #tpu.memory_space<vmem>>
    %dma_wait3A_526 = arith.constant 0 : i32
    %dma_wait3A_527 = arith.constant 0 : i32
    %dma_wait3A_528 = tpu.memref_slice %arg3[%dma_wait3A_526, %dma_wait3A_527] : memref<100000x768xf32, #tpu.memory_space<hbm>> -> memref<100000x768xf32, #tpu.memory_space<hbm>>
    tpu.wait_indirect_dma semaphore(%arg17 : memref<!tpu.dma_semaphore, #tpu.memory_space<semaphore_mem>>) src(%dma_wait3A_528 : memref<100000x768xf32, #tpu.memory_space<hbm>>) dst(%arg11 : memref<16x768xf32, #tpu.memory_space<vmem>>)
    %dma_wait3A_529 = arith.constant 0 : i32
    %dma_wait3A_530 = tpu.memref_slice %arg7[%add3A_494, %dma_wait3A_529] : memref<1024x768xf32, #tpu.memory_space<vmem_shared>> -> memref<16x768xf32, #tpu.memory_space<vmem_shared>>
    %dma_wait3A_531 = arith.constant 0 : i32
    %dma_wait3A_532 = tpu.memref_slice %arg7[%add3A_494, %dma_wait3A_531] : memref<1024x768xf32, #tpu.memory_space<vmem_shared>> -> memref<16x768xf32, #tpu.memory_space<vmem_shared>>
    tpu.wait_dma2 semaphore(%arg19 : memref<!tpu.dma_semaphore, #tpu.memory_space<semaphore_mem>>) src(%dma_wait3A_532 : memref<16x768xf32, #tpu.memory_space<vmem_shared>>) dst(%arg13 : memref<16x768xf32, #tpu.memory_space<vmem>>)
    %add3A_533 = arith.constant 240 : i32
    %add3A_534 = arith.addi %rem3A_4, %add3A_533 : i32
    %dma_start3A_535 = arith.constant 0 : i32
    %dma_start3A_536 = tpu.memref_slice %arg5[%div3A_3, %add3A_534, %dma_start3A_535] : memref<4x2048x768xf32, #tpu.memory_space<hbm>> -> memref<1x16x768xf32, #tpu.memory_space<hbm>>
    %dma_start3A_537 = tpu.memref_squeeze %dma_start3A_536 : memref<1x16x768xf32, #tpu.memory_space<hbm>> -> memref<16x768xf32, #tpu.memory_space<hbm>>
    %dma_start3A_538 = arith.constant 0 : i32
    %dma_start3A_539 = tpu.memref_slice %arg5[%div3A_3, %add3A_534, %dma_start3A_538] : memref<4x2048x768xf32, #tpu.memory_space<hbm>> -> memref<1x16x768xf32, #tpu.memory_space<hbm>>
    %dma_start3A_540 = tpu.memref_squeeze %dma_start3A_539 : memref<1x16x768xf32, #tpu.memory_space<hbm>> -> memref<16x768xf32, #tpu.memory_space<hbm>>
    tpu.enqueue_dma source(%arg11 : memref<16x768xf32, #tpu.memory_space<vmem>>) target(%dma_start3A_540 : memref<16x768xf32, #tpu.memory_space<hbm>>) target_semaphore(%arg23 : memref<!tpu.dma_semaphore, #tpu.memory_space<semaphore_mem>>)
    %dma_wait3A_541 = arith.constant 0 : i32
    %dma_wait3A_542 = tpu.memref_slice %arg5[%div3A_3, %add3A_477, %dma_wait3A_541] : memref<4x2048x768xf32, #tpu.memory_space<hbm>> -> memref<1x16x768xf32, #tpu.memory_space<hbm>>
    %dma_wait3A_543 = tpu.memref_squeeze %dma_wait3A_542 : memref<1x16x768xf32, #tpu.memory_space<hbm>> -> memref<16x768xf32, #tpu.memory_space<hbm>>
    %dma_wait3A_544 = arith.constant 0 : i32
    %dma_wait3A_545 = tpu.memref_slice %arg5[%div3A_3, %add3A_477, %dma_wait3A_544] : memref<4x2048x768xf32, #tpu.memory_space<hbm>> -> memref<1x16x768xf32, #tpu.memory_space<hbm>>
    %dma_wait3A_546 = tpu.memref_squeeze %dma_wait3A_545 : memref<1x16x768xf32, #tpu.memory_space<hbm>> -> memref<16x768xf32, #tpu.memory_space<hbm>>
    tpu.wait_dma2 semaphore(%arg20 : memref<!tpu.dma_semaphore, #tpu.memory_space<semaphore_mem>>) src(%arg8 : memref<16x768xf32, #tpu.memory_space<vmem>>) dst(%dma_wait3A_546 : memref<16x768xf32, #tpu.memory_space<hbm>>)
    %dma_wait3A_547 = arith.constant 0 : i32
    %dma_wait3A_548 = tpu.memref_slice %arg5[%div3A_3, %add3A_500, %dma_wait3A_547] : memref<4x2048x768xf32, #tpu.memory_space<hbm>> -> memref<1x16x768xf32, #tpu.memory_space<hbm>>
    %dma_wait3A_549 = tpu.memref_squeeze %dma_wait3A_548 : memref<1x16x768xf32, #tpu.memory_space<hbm>> -> memref<16x768xf32, #tpu.memory_space<hbm>>
    %dma_wait3A_550 = arith.constant 0 : i32
    %dma_wait3A_551 = tpu.memref_slice %arg5[%div3A_3, %add3A_500, %dma_wait3A_550] : memref<4x2048x768xf32, #tpu.memory_space<hbm>> -> memref<1x16x768xf32, #tpu.memory_space<hbm>>
    %dma_wait3A_552 = tpu.memref_squeeze %dma_wait3A_551 : memref<1x16x768xf32, #tpu.memory_space<hbm>> -> memref<16x768xf32, #tpu.memory_space<hbm>>
    tpu.wait_dma2 semaphore(%arg21 : memref<!tpu.dma_semaphore, #tpu.memory_space<semaphore_mem>>) src(%arg9 : memref<16x768xf32, #tpu.memory_space<vmem>>) dst(%dma_wait3A_552 : memref<16x768xf32, #tpu.memory_space<hbm>>)
    %dma_wait3A_553 = arith.constant 0 : i32
    %dma_wait3A_554 = tpu.memref_slice %arg5[%div3A_3, %add3A_517, %dma_wait3A_553] : memref<4x2048x768xf32, #tpu.memory_space<hbm>> -> memref<1x16x768xf32, #tpu.memory_space<hbm>>
    %dma_wait3A_555 = tpu.memref_squeeze %dma_wait3A_554 : memref<1x16x768xf32, #tpu.memory_space<hbm>> -> memref<16x768xf32, #tpu.memory_space<hbm>>
    %dma_wait3A_556 = arith.constant 0 : i32
    %dma_wait3A_557 = tpu.memref_slice %arg5[%div3A_3, %add3A_517, %dma_wait3A_556] : memref<4x2048x768xf32, #tpu.memory_space<hbm>> -> memref<1x16x768xf32, #tpu.memory_space<hbm>>
    %dma_wait3A_558 = tpu.memref_squeeze %dma_wait3A_557 : memref<1x16x768xf32, #tpu.memory_space<hbm>> -> memref<16x768xf32, #tpu.memory_space<hbm>>
    tpu.wait_dma2 semaphore(%arg22 : memref<!tpu.dma_semaphore, #tpu.memory_space<semaphore_mem>>) src(%arg10 : memref<16x768xf32, #tpu.memory_space<vmem>>) dst(%dma_wait3A_558 : memref<16x768xf32, #tpu.memory_space<hbm>>)
    %dma_wait3A_559 = arith.constant 0 : i32
    %dma_wait3A_560 = tpu.memref_slice %arg5[%div3A_3, %add3A_534, %dma_wait3A_559] : memref<4x2048x768xf32, #tpu.memory_space<hbm>> -> memref<1x16x768xf32, #tpu.memory_space<hbm>>
    %dma_wait3A_561 = tpu.memref_squeeze %dma_wait3A_560 : memref<1x16x768xf32, #tpu.memory_space<hbm>> -> memref<16x768xf32, #tpu.memory_space<hbm>>
    %dma_wait3A_562 = arith.constant 0 : i32
    %dma_wait3A_563 = tpu.memref_slice %arg5[%div3A_3, %add3A_534, %dma_wait3A_562] : memref<4x2048x768xf32, #tpu.memory_space<hbm>> -> memref<1x16x768xf32, #tpu.memory_space<hbm>>
    %dma_wait3A_564 = tpu.memref_squeeze %dma_wait3A_563 : memref<1x16x768xf32, #tpu.memory_space<hbm>> -> memref<16x768xf32, #tpu.memory_space<hbm>>
    tpu.wait_dma2 semaphore(%arg23 : memref<!tpu.dma_semaphore, #tpu.memory_space<semaphore_mem>>) src(%arg11 : memref<16x768xf32, #tpu.memory_space<vmem>>) dst(%dma_wait3A_564 : memref<16x768xf32, #tpu.memory_space<hbm>>)
    return
  }
}

</mosaic_0001>

<sc_bundles>
// kernel: kernel.3.cloned.1.call-start
scs
__scs_entry_jumppad:
0x0: {  	(pc) =	sbr.rel $0x88, $3  }
0x1: {  	(tag) =	ssettag $0x0;
	lr =	simm.s32 $0x1  }
0x2: {  	[smem:$0x3F9F] =	sst lr;
	_ =	strace $0xD0000000  }
0x3: {  	_ = 	snop  }
0x4: {  	_ = 	snop  }
0x5: {  	_ = 	snop  }
0x6: {  	_ = 	snop  }
0x7: {  	_ = 	snop  }
__scs_overlays_trampoline_lowered:
0x8: {  	[smem:$0x3FAE] =	sst s0  }
0x9: {  	[smem:$0x3FAF] =	sst s1  }
0xa: {  	[smem:$0x3FB0] =	sst s2  }
0xb: {  	[smem:$0x3FB1] =	sst s3  }
0xc: {  	[smem:$0x3FB2] =	sst s4  }
0xd: {  	[smem:$0x3FB3] =	sst s5  }
0xe: {  	[smem:$0x3FB4] =	sst s6  }
0xf: {  	[smem:$0x3FB5] =	sst s7  }
0x10: {  	[smem:$0x3FB6] =	sst s8  }
0x11: {  	[smem:$0x3FB7] =	sst s9;
	s0 =	simm.s32 @!p0 $0x0  }
0x12: {  	s1 =	sld [smem:$0x3F9D];
	s0 =	simm.s32 @p0 $0x1  }
0x13: {  	[smem:$0x3FB8] =	sst s0;
	s0 =	simm.s32 @!p1 $0x0  }
0x14: {  	s2 =	sld [smem:$0x3F9C];
	s0 =	simm.s32 @p1 $0x1  }
0x15: {  	[smem:$0x3FB9] =	sst s0;
	s0 =	simm.s32 @!p2 $0x0  }
0x16: {  	s3 =	sld [smem:$0x3FDB];
	s0 =	simm.s32 @p2 $0x1  }
0x17: {  	s4 =	simm.s32 $0x1BF5;
	[smem:$0x3FBB] =	sst s0  }
0x18: {  	s0 =	sld [smem:$0x3F9E];
	_ =	swait.ge [sflag:s4], $0x0  }
0x19: {  	s7 =	sld [smem:$0x3F9F]  }
0x1a: {  	s8 =	sadd.s32 $0xFFFFE003, lr  }
0x1b: {  	s9 =	sadd.s32 $0xFFFFFEF7, lr;
	s5 =	simm.s32 $0xFFFFFFFF;
	p2 =	slt.u32 s8, $0xFFFFF086  }
0x1c: {  	p1 =	slt.u32 s9, $0xF7A;
	s5 =	simm.s32 @!p2 $0x0  }
0x1d: {  	s5 =	simm.s32 @p1 $0x1;
	p0 =	seq.s32 s7, s2  }
0x1e: {  	s7 =	smul.u32 @!p0 $0xF7A, s2;
	p2 =	seq.s32 @!p0 s5, $0x0  }
0x1f: {  	s9 =	smul.u32 $0xF7A, s1;
	s8 =	simm.s32 @!p0 $0x1BF5;
	p2 =	por !p2, p0  }
0x20: {  	[sflag:s8] =	ssyncset.s32 @!p0 $0xFFFFF086;
	s6 =	sadd.s32 @!p0 s3, s7;
	s7 =	simm.s32 @!p0 $0x108  }
0x21: {  	s3 =	sadd.s32 s3, s9;
	s6 =	sadd.s32 @!p0 $0x88, s6;
	s7 =	simm.s32 @p2 $0x1082  }
0x22: {  	[simem:s7], [sflag:s8] =	dma.local @!p0 [hbm:s6], $0xF7A  }
0x23: {  	s9 =	sor.u32 $0xD0000000, s2;
	s6 =	simm.s32 $0x108;
	_ =	swait.ge @!p0 [sflag:s8], $0x0  }
0x24: {  	s3 =	sadd.s32 $0x88, s3;
	s6 =	simm.s32 @!p1 $0x1082;
	[sflag:s4] =	ssyncset.s32 $0xFFFFF086  }
0x25: {  	[simem:s6], [sflag:s4] =	dma.local [hbm:s3], $0xF7A  }
0x26: {  	[smem:$0x3F9F] =	sst s1;
	(tag) =	ssettag s2;
	_ =	strace s9  }
0x27: {  	s1 =	sld [smem:$0x3FAF]  }
0x28: {  	s2 =	sld [smem:$0x3FB0]  }
0x29: {  	s4 =	sld [smem:$0x3FB2]  }
0x2a: {  	p0 =	seq.s32 s5, $0x0;
	s5 =	sld [smem:$0x3FB3]  }
0x2b: {  	s6 =	sld [smem:$0x3FB4]  }
0x2c: {  	s7 =	sld [smem:$0x3FB5]  }
0x2d: {  	s3 =	simm.s32 $0x108;
	s8 =	sld [smem:$0x3FB6]  }
0x2e: {  	s3 =	simm.s32 @!p0 $0x1082;
	s9 =	sld [smem:$0x3FB7]  }
0x2f: {  	lr =	sadd.s32 s0, s3;
	s0 =	sld [smem:$0x3FAE]  }
0x30: {  	s3 =	sld [smem:$0x3FB1]  }
0x31: {  	[smem:$0x3FBA] =	sst s10  }
0x32: {  	s10 =	sld [smem:$0x3FB8];
	_ =	sdelay $0x3  }
0x33: {  	p0 =	seq.s32 s10, $0x1;
	s10 =	sld [smem:$0x3FBA];
	_ =	sdelay $0x3  }
0x34: {  	[smem:$0x3FBA] =	sst s10  }
0x35: {  	s10 =	sld [smem:$0x3FB9];
	_ =	sdelay $0x3  }
0x36: {  	p1 =	seq.s32 s10, $0x1;
	s10 =	sld [smem:$0x3FBA];
	_ =	sdelay $0x3  }
0x37: {  	[smem:$0x3FBA] =	sst s10  }
0x38: {  	s10 =	sld [smem:$0x3FBB]  }
0x39: {  	_ = 	snop;
	(pc) =	sbr.ind lr, $3  }
0x3a: {  	_ = 	snop  }
0x3b: {  	_ = 	snop  }
0x3c: {  	p2 =	seq.s32 s10, $0x1;
	s10 =	sld [smem:$0x3FBA]  }
0x3d: {  	_ =	shalt  }
0x3e: {  	_ =	shalt  }
0x3f: {  	_ =	shalt  }
0x40: {  	_ =	shalt  }
0x41: {  	_ =	shalt  }
0x42: {  	_ =	shalt  }
0x43: {  	_ =	shalt  }
0x44: {  	_ =	shalt  }
0x45: {  	_ =	shalt  }
0x46: {  	_ =	shalt  }
0x47: {  	_ =	shalt  }
0x48: {  	_ =	shalt  }
0x49: {  	_ =	shalt  }
0x4a: {  	_ =	shalt  }
0x4b: {  	_ =	shalt  }
0x4c: {  	_ =	shalt  }
0x4d: {  	_ =	shalt  }
0x4e: {  	_ =	shalt  }
0x4f: {  	_ =	shalt  }
0x50: {  	_ =	shalt  }
0x51: {  	_ =	shalt  }
0x52: {  	_ =	shalt  }
0x53: {  	_ =	shalt  }
0x54: {  	_ =	shalt  }
0x55: {  	_ =	shalt  }
0x56: {  	_ =	shalt  }
0x57: {  	_ =	shalt  }
0x58: {  	_ =	shalt  }
0x59: {  	_ =	shalt  }
0x5a: {  	_ =	shalt  }
0x5b: {  	_ =	shalt  }
0x5c: {  	_ =	shalt  }
0x5d: {  	_ =	shalt  }
0x5e: {  	_ =	shalt  }
0x5f: {  	_ =	shalt  }
0x60: {  	_ =	shalt  }
0x61: {  	_ =	shalt  }
0x62: {  	_ =	shalt  }
0x63: {  	_ =	shalt  }
0x64: {  	_ =	shalt  }
0x65: {  	_ =	shalt  }
0x66: {  	_ =	shalt  }
0x67: {  	_ =	shalt  }
0x68: {  	_ =	shalt  }
0x69: {  	_ =	shalt  }
0x6a: {  	_ =	shalt  }
0x6b: {  	_ =	shalt  }
0x6c: {  	_ =	shalt  }
0x6d: {  	_ =	shalt  }
0x6e: {  	_ =	shalt  }
0x6f: {  	_ =	shalt  }
0x70: {  	_ =	shalt  }
0x71: {  	_ =	shalt  }
0x72: {  	_ =	shalt  }
0x73: {  	_ =	shalt  }
0x74: {  	_ =	shalt  }
0x75: {  	_ =	shalt  }
0x76: {  	_ =	shalt  }
0x77: {  	_ =	shalt  }
0x78: {  	_ =	shalt  }
0x79: {  	_ =	shalt  }
0x7a: {  	_ =	shalt  }
0x7b: {  	_ =	shalt  }
0x7c: {  	_ =	shalt  }
0x7d: {  	_ =	shalt  }
0x7e: {  	_ =	shalt  }
0x7f: {  	_ =	shalt  }
0x80: {  	_ =	shalt  }
0x81: {  	_ =	shalt  }
0x82: {  	_ =	shalt  }
0x83: {  	_ =	shalt  }
0x84: {  	_ =	shalt  }
0x85: {  	_ =	shalt  }
0x86: {  	_ =	shalt  }
0x87: {  	_ =	shalt  }
.Lfunc_end0:
.L_simem_size_0:
called_computation_lowered:
.L_overlay_start_0:
0x88: {  	s2 =	sld [smem:$0x3FD9]  }
0x89: {  	s3 =	sld [smem:$0x3FFE];
	_ =	sdelay $0x1  }
0x8a: {  	s1 =	srdreg.scid  }
0x8b: {  	s0 =	sand.u32 $0x1, s1  }
0x8c: {  	s17 =	sshll.u32 s0, $0xA;
	s2 =	sadd.s32 s3, s2  }
0x8d: {  	s2 =	sadd.s32 s2, s17  }
0x8e: {  	[smem:$0x3FC6] =	sst s2  }
0x8f: {  	_ = 	snop  }
0x90: {  	s2 =	sld [smem:$0x3FC9]  }
0x91: {  	s18 =	sld [smem:$0x3FC8]  }
0x92: {  	s4 =	sld [smem:$0x3FD0];
	(tm) =	ssettm $0x1  }
0x93: {  	s5 =	sld [smem:$0x3FFB];
	_ =	sdelay $0x3  }
0x94: {  	_ =	strace s5  }
0x95: {  	s5 =	sld [smem:$0x3FFC];
	_ =	sdelay $0x3  }
0x96: {  	_ =	strace s5  }
0x97: {  	s5 =	sld [smem:$0x3FFD];
	_ =	sdelay $0x3  }
0x98: {  	_ =	strace s5  }
0x99: {  	_ =	strace $0x8FFFFFFF  }
0x9a: {  	s19 =	sld [smem:$0x3FDB];
	_ =	sdelay $0x1  }
0x9b: {  	s6 =	simm.s32 $_scs_section_size  }
0x9c: {  	s7 =	simm.s32 $_size__tile_overlayer_lowered;
	s8 =	simm.s32 $_tile_overlayer_lowered  }
0x9d: {  	s22 =	simm.s32 $0x1BFF;
	s21 =	sshll.u32 s8, $0x1;
	s5 =	sadd.s32 s6, s19  }
0x9e: {  	s9 =	simm.s32 $0x0;
	s20 =	sshll.u32 s7, $0x1;
	s7 =	sadd.s32 s21, s5  }
0x9f: {  	[timem:s9], [sflag:s22] =	dma.local [hbm:s7], s20  }
0xa0: {  	_ =	swait.ge [sflag:s22], s20  }
0xa1: {  	s6 =	ssub.s32 $0x0, s20;
	[sflag:s22] =	ssyncset.done $0x0  }
0xa2: {  	[sflag:s22] =	ssyncadd.s32 s6;
	_ =	sdelay $0x1  }
0xa3: {  	s23 =	simm.s32 $0x1B8B  }
0xa4: {  	_ =	swait.ge [sflag:s23], $0x1  }
0xa5: {  	[sflag:s23] =	ssyncset.done $0x0  }
0xa6: {  	s25 =	simm.s32 $0x1B8E;
	s24 =	sld [smem:$0x3FFE];
	[sflag:s23] =	ssyncadd.s32 $0xFFFFFFFF  }
0xa7: {  	s26 =	simm.s32 $execute0_lowered;
	[smem:$0x3FD2] =	sst s25  }
0xa8: {  	s7 =	sshll.u32 s26, $0x1;
	_ =	strace $0x80000046;
	[dreg:$0x1] =	wrdreg $0xFFFFFFFF  }
0xa9: {  	s28 =	simm.s32 $_size_execute0_lowered;
	s5 =	sadd.s32 s5, s7;
	[dreg:$0x0] =	wrdreg $0x0  }
0xaa: {  	s7 =	sshll.u32 s28, $0x1;
	[dreg:$0x2] =	wrdreg s5  }
0xab: {  	[dreg:$0x3] =	wrdreg s7  }
0xac: {  	[dreg:$0x4] =	wrdreg $0xC0  }
0xad: {  	_ =	task [dreg:s9], $0x5FFFF  }
0xae: {  	[dreg:$0x1] =	wrdreg $0xFFFFFFFF  }
0xaf: {  	[dreg:$0x0] =	wrdreg $0x60  }
0xb0: {  	[dreg:$0x2] =	wrdreg s2  }
0xb1: {  	[dreg:$0x3] =	wrdreg s18  }
0xb2: {  	[dreg:$0x4] =	wrdreg s24  }
0xb3: {  	[dreg:$0x5] =	wrdreg s4  }
0xb4: {  	[dreg:$0x6] =	wrdreg $0x1000  }
0xb5: {  	[dreg:$0x7] =	wrdreg $0x9  }
0xb6: {  	_ =	task.clear_ibuf [dreg:s9], $0x8FFFF;
	_ =	strace $0x90000046  }
0xb7: {  	s29 =	simm.s32 $0x9;
	_ =	strace $0x80000048  }
0xb8: {  	_ =	swait.ge [sflag:s29], $0x1  }
0xb9: {  	[sflag:s29] =	ssyncadd.s32 $0xFFFFFFFF  }
0xba: {  	_ =	strace $0x90000048  }
0xbb: {  	_ =	sfence  }
0xbc: {  	s30 =	sld [smem:$0x0];
	_ =	sdelay $0x2  }
0xbd: {  	s31 =	sshll.u32 s1, $0xD;
	s1 =	sshrl.u32 s1, $0x2  }
0xbe: {  	s3 =	sand.u32 $0x4000, s31;
	s1 =	sadd.s32 s1, s30  }
0xbf: {  	s0 =	sor.u32 s3, s0;
	s1 =	sshll.u32 s1, $0x11  }
0xc0: {  	s0 =	sor.u32 s1, s0  }
0xc1: {  	s0 =	sadd.s32 $0x8F2B, s0  }
0xc2: {  	[sflag:s0] =	ssyncadd.remote.s32 $0x1  }
0xc3: {  	_ =	sfence.sel $0xFFFF  }
0xc4: {  	[dreg:$0x0] =	wrdreg $0xFFFFFFFF;
	(pc) =	sbr.abs _section_cstart, $3  }
0xc5: {  	[dreg:$0x1] =	wrdreg $0xFFFFFFFF  }
0xc6: {  	_ =	task.clear_ibuf [dreg:s9], $0x2FFFF;
	_ =	strace $0x9FFFFFFF  }
0xc7: {  	(tm) =	ssettm $0x7FFFFFFF  }
tec
execute0_lowered:
.L_overlay_start_1:
0x0: {  	(tag) =	ssettag $0x1  }
0x1: {  	s3 =	rddreg [dreg:$0x0]  }
0x2: {  	s1 =	rddreg [dreg:$0x1]  }
0x3: {  	s5 =	rddreg [dreg:$0x2];
	s13 =	stileid.u32  }
0x4: {  	s6 =	rddreg [dreg:$0x3];
	s0 =	srdreg.scid;
	s4 =	sshll.u32 s13, $0x7  }
0x5: {  	s7 =	sshll.u32 s13, $0x6;
	s2 =	sand.u32 $0x1, s0;
	s9 =	sshll.u32 s13, $0x9  }
0x6: {  	s4 =	sand.u32 $0x600, s4;
	[smem:$0x7F2] =	sst s7;
	s7 =	sand.u32 $0xC0, s7  }
0x7: {  	s10 =	sshrl.u32 s13, $0x2;
	s8 =	sshll.u32 s2, $0x8;
	s7 =	sor.u32 s4, s7  }
0x8: {  	s30 =	sshll.u32 s13, $0x5;
	s9 =	sand.u32 $0x600, s9;
	s7 =	sor.u32 s8, s7  }
0x9: {  	s12 =	sshll.u32 s10, $0x7;
	s8 =	sor.u32 s8, s9;
	s7 =	sshrl.u32 s7, $0x3  }
0xa: {  	s4 =	simm.s32 $0x0;
	s11 =	sshll.u32 s8, $0x2;
	s7 =	smul.u32 $0x300, s7  }
0xb: {  	[smem:$0x7FF] =	sst s4;
	s9 =	sand.u32 $0x60, s30;
	s14 =	sor.u32 s12, s11  }
0xc: {  	s9 =	smul.u32 $0x6000, s9;
	s5 =	sadd.s32 s7, s5;
	s7 =	sshrl.u32 s14, $0x3  }
0xd: {  	s0 =	rddreg [dreg:$0x4];
	_ =	strace $0x80000047;
	s3 =	sadd.s32 s3, s7  }
0xe: {  	s15 =	sshrl.u32 s9, $0x2;
	s16 =	sadd.s32 $0x400, s5;
	[dreg:$0x6] =	wrdreg s3  }
0xf: {  	s7 =	sadd.s32 s15, s0;
	[dreg:$0x7] =	wrdreg s16  }
0x10: {  	s17 =	sadd.s32 $0x3000, s7;
	[smem:$0x7F5] =	sst s7  }
0x11: {  	s10 =	smul.u32 $0x180000, s10;
	s19 =	sadd.s32 $0x6000, s7;
	[dreg:$0x8] =	wrdreg s17  }
0x12: {  	s8 =	sshrl.u32 s8, $0x3;
	s20 =	sadd.s32 $0x9000, s7;
	[dreg:$0x9] =	wrdreg s19  }
0x13: {  	s8 =	smul.u32 $0x1800, s8;
	s22 =	sadd.s32 $0xC000, s7;
	[dreg:$0xa] =	wrdreg s20  }
0x14: {  	s24 =	sadd.s32 $0xF000, s7;
	[dreg:$0xc] =	wrdreg s22  }
0x15: {  	s18 =	sadd.s32 s10, s8;
	s26 =	sadd.s32 $0x12000, s7;
	[dreg:$0xe] =	wrdreg s24  }
0x16: {  	s5 =	sshrl.u32 s18, $0x3;
	s29 =	sadd.s32 $0x15000, s7;
	[dreg:$0x10] =	wrdreg s26  }
0x17: {  	s6 =	sadd.s32 s6, s5;
	s5 =	sadd.s32 $0x18000, s7;
	[dreg:$0x12] =	wrdreg s29  }
0x18: {  	s9 =	sadd.s32 $0x1B000, s7;
	[dreg:$0x14] =	wrdreg s5  }
0x19: {  	s11 =	sadd.s32 $0x1E000, s7;
	[dreg:$0x16] =	wrdreg s9  }
0x1a: {  	s14 =	sadd.s32 $0x21000, s7;
	[dreg:$0x18] =	wrdreg s11  }
0x1b: {  	s16 =	sadd.s32 $0x24000, s7;
	[dreg:$0x1a] =	wrdreg s14  }
0x1c: {  	s18 =	sadd.s32 $0x27000, s7;
	[dreg:$0x1c] =	wrdreg s16  }
0x1d: {  	[dreg:$0x1e] =	wrdreg s18  }
0x1e: {  	s21 =	sadd.s32 $0x600, s6;
	[smem:$0x7F9] =	sst s6  }
0x1f: {  	s31 =	simm.s32 $0x18100;
	s23 =	sadd.s32 $0xC00, s6;
	[dreg:$0xb] =	wrdreg s21  }
0x20: {  	s2 =	ssub.s32 $0x2, s2;
	s25 =	sadd.s32 $0x1200, s6;
	[dreg:$0xd] =	wrdreg s23  }
0x21: {  	s3 =	simm.s32 $0x1B100;
	s28 =	sadd.s32 $0x1800, s6;
	[dreg:$0xf] =	wrdreg s25  }
0x22: {  	s30 =	sadd.s32 $0x1E00, s6;
	s8 =	sadd.s32 $0x2400, s6;
	[dreg:$0x11] =	wrdreg s28  }
0x23: {  	s10 =	sadd.s32 $0x2A00, s6;
	s12 =	sadd.s32 $0x3000, s6;
	[dreg:$0x13] =	wrdreg s30  }
0x24: {  	s15 =	sadd.s32 $0x3600, s6;
	s17 =	sadd.s32 $0x3C00, s6;
	[dreg:$0x15] =	wrdreg s8  }
0x25: {  	s19 =	sadd.s32 $0x4200, s6;
	s20 =	sadd.s32 $0x2A000, s7;
	[dreg:$0x17] =	wrdreg s10  }
0x26: {  	s22 =	sshrl.u32 s2, $0x1;
	s24 =	sadd.s32 $0x4E00, s6;
	[dreg:$0x19] =	wrdreg s12  }
0x27: {  	s26 =	smul.u32 $0x30000, s13;
	s29 =	simm.s32 $0x80;
	[dreg:$0x1b] =	wrdreg s15  }
0x28: {  	s13 =	simm.s32 $0x1;
	s14 =	simm.s32 $0x5;
	[dreg:$0x1d] =	wrdreg s17  }
0x29: {  	s16 =	simm.s32 $0x2;
	s18 =	simm.s32 $0x6;
	[dreg:$0x1f] =	wrdreg s19  }
0x2a: {  	[smem:$0x7F3] =	sst s20;
	s21 =	sadd.s32 $0x4800, s6;
	s23 =	sadd.s32 $0x2D000, s7  }
0x2b: {  	s2 =	ssub.s32 s2, s22;
	s7 =	sadd.s32 $0x100, s1;
	[smem:$0x7F7] =	sst s24  }
0x2c: {  	s25 =	sadd.s32 $0x5400, s6;
	s28 =	sadd.s32 $0x5A00, s6;
	[smem:$0x7FB] =	sst s29  }
0x2d: {  	s8 =	sadd.s32 $0x200, s1;
	s30 =	simm.s32 $0x200;
	[smem:$0x7F4] =	sst s21  }
0x2e: {  	s15 =	simm.s32 $0x7;
	s19 =	simm.s32 $0x8;
	[smem:$0x7F6] =	sst s23  }
0x2f: {  	s20 =	simm.s32 $0x3;
	[smem:$0x7F8] =	sst s25;
	s5 =	sshrl.u32 s26, $0x2  }
0x30: {  	v2 =	vlaneseq.u32;
	s22 =	simm.s32 $0x4;
	[smem:$0x7FA] =	sst s28;
	s0 =	sadd.s32 s5, s0  }
0x31: {  	vm0 =	vmmov $0xffff;
	v1 =	vshrl.u32 v2, $0x3;
	s24 =	simm.s32 $0xA;
	[smem:$0x7FC] =	sst s30;
	s0 =	sshrl.u32 s0, $0x3  }
0x32: {  	v0 =	vand.u32 $0x7, v2;
	v2 =	vor.u32 $0x8, v2;
	v1 =	vmul.u32 $0x8, v1;
	s9 =	smax.u32 s2, $0x1;
	s21 =	simm.s32 $0x9;
	[smem:$0x7FD] =	sst s0  }
.LBB2_1:
0x33: {  	s26 =	sld [smem:$0x7FB]  }
0x34: {  	s28 =	sld [smem:$0x7FC];
	_ =	sdelay $0x1  }
0x35: {  	s25 =	rddreg [dreg:$0x6];
	s11 =	simm.s32 $0xB  }
0x36: {  	[tilespmem:s4], [sflag:$0xB] =	stream.strided.gather [hbm4b:s25+s26], $0x100, s28, s26, $0x38;
	[tilespmem:$0x1E100] =	vst v63  }
0x37: {  	_ =	swait.ge [sflag:s11], $0x100  }
0x38: {  	[sflag:s11] =	ssyncset.done $0x0  }
0x39: {  	[sflag:s11] =	ssyncadd.s32 $0xFFFFFF00  }
0x3a: {  	v3 =	vld [tilespmem:$0x0];
	_ =	sdelay $0x4  }
0x3b: {  	v4 =	vshrl.u32 v3, $0x3  }
0x3c: {  	v4 =	vmul.u32 $0x30, v4  }
0x3d: {  	v3 =	vand.u32 $0x7, v3  }
0x3e: {  	v3 =	vor.u32 v3, v4  }
0x3f: {  	v4 =	vperm.xlane v3, v0;
	_ =	sdelay $0x1  }
0x40: {  	v4 =	vadd.s32 v1, v4;
	_ =	sdelay $0x3  }
0x41: {  	s0 =	simm.s32 $0xC100;
	v3 =	vperm.xlane v3, v2  }
0x42: {  	[tilespmem:s0], [sflag:$0x1] =	stream.indirect_vreg.gather [hbm4b:s1+s4], $0x80, v4, vm0, $0xb8;
	[tilespmem:$0x1E100] =	vst v63  }
0x43: {  	s5 =	simm.s32 $0xC900;
	v3 =	vadd.s32 v1, v3  }
0x44: {  	[tilespmem:s5], [sflag:$0x1] =	stream.indirect_vreg.gather [hbm4b:s7+s4], $0x80, v4, vm0, $0xb8;
	[tilespmem:$0x1E100] =	vst v63  }
0x45: {  	s6 =	simm.s32 $0xD100  }
0x46: {  	[tilespmem:s6], [sflag:$0x1] =	stream.indirect_vreg.gather [hbm4b:s8+s4], $0x80, v4, vm0, $0xb8;
	[tilespmem:$0x1E100] =	vst v63  }
0x47: {  	s10 =	simm.s32 $0xD900  }
0x48: {  	[tilespmem:s10], [sflag:$0x1] =	stream.indirect_vreg.gather [hbm4b:s1+s4], $0x80, v3, vm0, $0xb8;
	[tilespmem:$0x1E100] =	vst v63  }
0x49: {  	s12 =	simm.s32 $0xE100  }
0x4a: {  	[tilespmem:s12], [sflag:$0x1] =	stream.indirect_vreg.gather [hbm4b:s7+s4], $0x80, v3, vm0, $0xb8;
	[tilespmem:$0x1E100] =	vst v63  }
0x4b: {  	s17 =	simm.s32 $0xE900  }
0x4c: {  	[tilespmem:s17], [sflag:$0x1] =	stream.indirect_vreg.gather [hbm4b:s8+s4], $0x80, v3, vm0, $0xb8;
	[tilespmem:$0x1E100] =	vst v63  }
0x4d: {  	v3 =	vld [tilespmem:$0x10];
	_ =	sdelay $0x4  }
0x4e: {  	v49 =	vshrl.u32 v3, $0x3  }
0x4f: {  	v4 =	vmul.u32 $0x30, v49  }
0x50: {  	v3 =	vand.u32 $0x7, v3  }
0x51: {  	v3 =	vor.u32 v3, v4  }
0x52: {  	v4 =	vperm.xlane v3, v0;
	_ =	sdelay $0x1  }
0x53: {  	v4 =	vadd.s32 v1, v4;
	_ =	sdelay $0x3  }
0x54: {  	s23 =	simm.s32 $0xF100;
	v3 =	vperm.xlane v3, v2  }
0x55: {  	[tilespmem:s23], [sflag:$0x2] =	stream.indirect_vreg.gather [hbm4b:s1+s4], $0x80, v4, vm0, $0xb8;
	[tilespmem:$0x1E100] =	vst v63  }
0x56: {  	s2 =	simm.s32 $0xF900;
	v3 =	vadd.s32 v1, v3  }
0x57: {  	[tilespmem:s2], [sflag:$0x2] =	stream.indirect_vreg.gather [hbm4b:s7+s4], $0x80, v4, vm0, $0xb8;
	[tilespmem:$0x1E100] =	vst v63  }
0x58: {  	s25 =	simm.s32 $0x10100  }
0x59: {  	[tilespmem:s25], [sflag:$0x2] =	stream.indirect_vreg.gather [hbm4b:s8+s4], $0x80, v4, vm0, $0xb8;
	[tilespmem:$0x1E100] =	vst v63  }
0x5a: {  	s26 =	simm.s32 $0x10900  }
0x5b: {  	[tilespmem:s26], [sflag:$0x2] =	stream.indirect_vreg.gather [hbm4b:s1+s4], $0x80, v3, vm0, $0xb8;
	[tilespmem:$0x1E100] =	vst v63  }
0x5c: {  	s28 =	simm.s32 $0x11100  }
0x5d: {  	[tilespmem:s28], [sflag:$0x2] =	stream.indirect_vreg.gather [hbm4b:s7+s4], $0x80, v3, vm0, $0xb8;
	[tilespmem:$0x1E100] =	vst v63  }
0x5e: {  	s0 =	simm.s32 $0x11900  }
0x5f: {  	[tilespmem:s0], [sflag:$0x2] =	stream.indirect_vreg.gather [hbm4b:s8+s4], $0x80, v3, vm0, $0xb8;
	[tilespmem:$0x1E100] =	vst v63  }
0x60: {  	v3 =	vld [tilespmem:$0x20];
	_ =	sdelay $0x4  }
0x61: {  	v50 =	vshrl.u32 v3, $0x3  }
0x62: {  	v4 =	vmul.u32 $0x30, v50  }
0x63: {  	v3 =	vand.u32 $0x7, v3  }
0x64: {  	v3 =	vor.u32 v3, v4  }
0x65: {  	v4 =	vperm.xlane v3, v0;
	_ =	sdelay $0x1  }
0x66: {  	v4 =	vadd.s32 v1, v4;
	_ =	sdelay $0x3  }
0x67: {  	s5 =	simm.s32 $0x12100;
	v3 =	vperm.xlane v3, v2  }
0x68: {  	[tilespmem:s5], [sflag:$0x3] =	stream.indirect_vreg.gather [hbm4b:s1+s4], $0x80, v4, vm0, $0xb8;
	[tilespmem:$0x1E100] =	vst v63  }
0x69: {  	s12 =	simm.s32 $0x12900;
	v3 =	vadd.s32 v1, v3  }
0x6a: {  	[tilespmem:s12], [sflag:$0x3] =	stream.indirect_vreg.gather [hbm4b:s7+s4], $0x80, v4, vm0, $0xb8;
	[tilespmem:$0x1E100] =	vst v63  }
0x6b: {  	s10 =	simm.s32 $0x13100  }
0x6c: {  	[tilespmem:s10], [sflag:$0x3] =	stream.indirect_vreg.gather [hbm4b:s8+s4], $0x80, v4, vm0, $0xb8;
	[tilespmem:$0x1E100] =	vst v63  }
0x6d: {  	s23 =	simm.s32 $0x13900;
	s10 =	sld [smem:$0x7F2]  }
0x6e: {  	[tilespmem:s23], [sflag:$0x3] =	stream.indirect_vreg.gather [hbm4b:s1+s4], $0x80, v3, vm0, $0xb8;
	[tilespmem:$0x1E100] =	vst v63  }
0x6f: {  	s25 =	simm.s32 $0x14100;
	s0 =	sld [smem:$0x7FD]  }
0x70: {  	[tilespmem:s25], [sflag:$0x3] =	stream.indirect_vreg.gather [hbm4b:s7+s4], $0x80, v3, vm0, $0xb8;
	[tilespmem:$0x1E100] =	vst v63  }
0x71: {  	s26 =	rddreg [dreg:$0x7];
	s5 =	simm.s32 $0x14900;
	s28 =	sor.u32 $0x1C0B, s10  }
0x72: {  	[tilespmem:s5], [sflag:$0x3] =	stream.indirect_vreg.gather [hbm4b:s8+s4], $0x80, v3, vm0, $0xb8;
	[tilespmem:$0x1E100] =	vst v63  }
0x73: {  	[spmem:s0], [sflag:s28] =	dma.local [hbm:s26], $0x1800  }
0x74: {  	_ =	swait.ge [sflag:s11], $0x1800  }
0x75: {  	[sflag:s11] =	ssyncset.done $0x0  }
0x76: {  	[sflag:s11] =	ssyncadd.s32 $0xFFFFE800  }
0x77: {  	[bflag:$0x0] =	sbarrier.arrive $0xFFFF  }
0x78: {  	s23 =	sld [smem:$0x7F5];
	_ =	sdelay $0x2  }
0x79: {  	[tilespmem:s31], [sflag:$0x5] =	stream.linear.gather [spmem:s23], $0x3000, $0x38;
	[tilespmem:$0x1E100] =	vst v63  }
0x7a: {  	s12 =	rddreg [dreg:$0x8]  }
0x7b: {  	[tilespmem:s3], [sflag:$0x6] =	stream.linear.gather [spmem:s12], $0x3000, $0x38;
	[tilespmem:$0x1E100] =	vst v63  }
0x7c: {  	v3 =	vld [tilespmem:$0x30];
	_ =	sdelay $0x4  }
0x7d: {  	v51 =	vshrl.u32 v3, $0x3  }
0x7e: {  	v4 =	vmul.u32 $0x30, v51  }
0x7f: {  	v3 =	vand.u32 $0x7, v3  }
0x80: {  	v3 =	vor.u32 v3, v4  }
0x81: {  	v4 =	vperm.xlane v3, v0;
	_ =	sdelay $0x1  }
0x82: {  	v4 =	vadd.s32 v1, v4;
	_ =	sdelay $0x3  }
0x83: {  	s0 =	simm.s32 $0x15100;
	v3 =	vperm.xlane v3, v2  }
0x84: {  	[tilespmem:s0], [sflag:$0x4] =	stream.indirect_vreg.gather [hbm4b:s1+s4], $0x80, v4, vm0, $0xb8;
	[tilespmem:$0x1E100] =	vst v63  }
0x85: {  	s26 =	simm.s32 $0x15900;
	v3 =	vadd.s32 v1, v3  }
0x86: {  	[tilespmem:s26], [sflag:$0x4] =	stream.indirect_vreg.gather [hbm4b:s7+s4], $0x80, v4, vm0, $0xb8;
	[tilespmem:$0x1E100] =	vst v63  }
0x87: {  	s28 =	simm.s32 $0x16100  }
0x88: {  	[tilespmem:s28], [sflag:$0x4] =	stream.indirect_vreg.gather [hbm4b:s8+s4], $0x80, v4, vm0, $0xb8;
	[tilespmem:$0x1E100] =	vst v63  }
0x89: {  	s2 =	simm.s32 $0x16900  }
0x8a: {  	[tilespmem:s2], [sflag:$0x4] =	stream.indirect_vreg.gather [hbm4b:s1+s4], $0x80, v3, vm0, $0xb8;
	[tilespmem:$0x1E100] =	vst v63  }
0x8b: {  	s5 =	simm.s32 $0x17100  }
0x8c: {  	[tilespmem:s5], [sflag:$0x4] =	stream.indirect_vreg.gather [hbm4b:s7+s4], $0x80, v3, vm0, $0xb8;
	[tilespmem:$0x1E100] =	vst v63  }
0x8d: {  	s10 =	simm.s32 $0x17900  }
0x8e: {  	[tilespmem:s10], [sflag:$0x4] =	stream.indirect_vreg.gather [hbm4b:s8+s4], $0x80, v3, vm0, $0xb8;
	[tilespmem:$0x1E100] =	vst v63  }
0x8f: {  	_ =	swait.ge [sflag:s13], $0x3000  }
0x90: {  	[sflag:s13] =	ssyncset.done $0x0  }
0x91: {  	[sflag:s13] =	ssyncadd.s32 $0xFFFFD000  }
0x92: {  	_ =	swait.ge [sflag:s14], $0x3000  }
0x93: {  	s11 =	rddreg [dreg:$0x9];
	[sflag:s14] =	ssyncset.done $0x0  }
0x94: {  	s12 =	sld [smem:$0x7F9];
	[sflag:s14] =	ssyncadd.s32 $0xFFFFD000  }
0x95: {  	[tilespmem:s31], [sflag:$0x5] =	stream.linear.gather [spmem:s11], $0x3000, $0x38;
	[tilespmem:$0x1E100] =	vst v63  }
0x96: {  	s23 =	simm.s32 $0xC100  }
0x97: {  	[hbm4b:s12+s4] =	stream.linear.scatter [tilespmem:s23], [sflag:$0x7], $0x3000, $0x38;
	[tilespmem:$0x1E100] =	vst v63  }
0x98: {  	_ =	swait.ge [sflag:s15], $0x3000  }
0x99: {  	[sflag:s15] =	ssyncset.done $0x0  }
0x9a: {  	[sflag:s15] =	ssyncadd.s32 $0xFFFFD000  }
0x9b: {  	v3 =	vld [tilespmem:$0x40];
	_ =	sdelay $0x4  }
0x9c: {  	v52 =	vshrl.u32 v3, $0x3  }
0x9d: {  	v4 =	vmul.u32 $0x30, v52  }
0x9e: {  	v3 =	vand.u32 $0x7, v3  }
0x9f: {  	v3 =	vor.u32 v3, v4  }
0xa0: {  	v4 =	vperm.xlane v3, v0;
	_ =	sdelay $0x1  }
0xa1: {  	v4 =	vadd.s32 v1, v4;
	_ =	sdelay $0x3  }
0xa2: {  	v3 =	vperm.xlane v3, v2  }
0xa3: {  	[tilespmem:s23], [sflag:$0x1] =	stream.indirect_vreg.gather [hbm4b:s1+s4], $0x80, v4, vm0, $0xb8;
	[tilespmem:$0x1E100] =	vst v63  }
0xa4: {  	s29 =	simm.s32 $0xC900;
	v3 =	vadd.s32 v1, v3  }
0xa5: {  	[tilespmem:s29], [sflag:$0x1] =	stream.indirect_vreg.gather [hbm4b:s7+s4], $0x80, v4, vm0, $0xb8;
	[tilespmem:$0x1E100] =	vst v63  }
0xa6: {  	s10 =	simm.s32 $0xD100  }
0xa7: {  	[tilespmem:s10], [sflag:$0x1] =	stream.indirect_vreg.gather [hbm4b:s8+s4], $0x80, v4, vm0, $0xb8;
	[tilespmem:$0x1E100] =	vst v63  }
0xa8: {  	s12 =	simm.s32 $0xD900  }
0xa9: {  	[tilespmem:s12], [sflag:$0x1] =	stream.indirect_vreg.gather [hbm4b:s1+s4], $0x80, v3, vm0, $0xb8;
	[tilespmem:$0x1E100] =	vst v63  }
0xaa: {  	s23 =	simm.s32 $0xE100  }
0xab: {  	[tilespmem:s23], [sflag:$0x1] =	stream.indirect_vreg.gather [hbm4b:s7+s4], $0x80, v3, vm0, $0xb8;
	[tilespmem:$0x1E100] =	vst v63  }
0xac: {  	s28 =	simm.s32 $0xE900  }
0xad: {  	[tilespmem:s28], [sflag:$0x1] =	stream.indirect_vreg.gather [hbm4b:s8+s4], $0x80, v3, vm0, $0xb8;
	[tilespmem:$0x1E100] =	vst v63  }
0xae: {  	_ =	swait.ge [sflag:s16], $0x3000  }
0xaf: {  	[sflag:s16] =	ssyncset.done $0x0  }
0xb0: {  	[sflag:s16] =	ssyncadd.s32 $0xFFFFD000  }
0xb1: {  	_ =	swait.ge [sflag:s18], $0x3000  }
0xb2: {  	[sflag:s18] =	ssyncset.done $0x0  }
0xb3: {  	s26 =	rddreg [dreg:$0xa];
	[sflag:s18] =	ssyncadd.s32 $0xFFFFD000  }
0xb4: {  	[tilespmem:s3], [sflag:$0x6] =	stream.linear.gather [spmem:s26], $0x3000, $0x38;
	[tilespmem:$0x1E100] =	vst v63  }
0xb5: {  	s5 =	simm.s32 $0xF100;
	s29 =	rddreg [dreg:$0xb]  }
0xb6: {  	[hbm4b:s29+s4] =	stream.linear.scatter [tilespmem:s5], [sflag:$0x8], $0x3000, $0x38;
	[tilespmem:$0x1E100] =	vst v63  }
0xb7: {  	_ =	swait.ge [sflag:s19], $0x3000  }
0xb8: {  	[sflag:s19] =	ssyncset.done $0x0  }
0xb9: {  	[sflag:s19] =	ssyncadd.s32 $0xFFFFD000  }
0xba: {  	v3 =	vld [tilespmem:$0x50];
	_ =	sdelay $0x4  }
0xbb: {  	v53 =	vshrl.u32 v3, $0x3  }
0xbc: {  	v4 =	vmul.u32 $0x30, v53  }
0xbd: {  	v3 =	vand.u32 $0x7, v3  }
0xbe: {  	v3 =	vor.u32 v3, v4  }
0xbf: {  	v4 =	vperm.xlane v3, v0;
	_ =	sdelay $0x1  }
0xc0: {  	v4 =	vadd.s32 v1, v4;
	_ =	sdelay $0x3  }
0xc1: {  	v3 =	vperm.xlane v3, v2  }
0xc2: {  	[tilespmem:s5], [sflag:$0x2] =	stream.indirect_vreg.gather [hbm4b:s1+s4], $0x80, v4, vm0, $0xb8;
	[tilespmem:$0x1E100] =	vst v63  }
0xc3: {  	s30 =	simm.s32 $0xF900;
	v3 =	vadd.s32 v1, v3  }
0xc4: {  	[tilespmem:s30], [sflag:$0x2] =	stream.indirect_vreg.gather [hbm4b:s7+s4], $0x80, v4, vm0, $0xb8;
	[tilespmem:$0x1E100] =	vst v63  }
0xc5: {  	s6 =	simm.s32 $0x10100  }
0xc6: {  	[tilespmem:s6], [sflag:$0x2] =	stream.indirect_vreg.gather [hbm4b:s8+s4], $0x80, v4, vm0, $0xb8;
	[tilespmem:$0x1E100] =	vst v63  }
0xc7: {  	s30 =	simm.s32 $0x10900  }
0xc8: {  	[tilespmem:s30], [sflag:$0x2] =	stream.indirect_vreg.gather [hbm4b:s1+s4], $0x80, v3, vm0, $0xb8;
	[tilespmem:$0x1E100] =	vst v63  }
0xc9: {  	s17 =	simm.s32 $0x11100  }
0xca: {  	[tilespmem:s17], [sflag:$0x2] =	stream.indirect_vreg.gather [hbm4b:s7+s4], $0x80, v3, vm0, $0xb8;
	[tilespmem:$0x1E100] =	vst v63  }
0xcb: {  	s29 =	simm.s32 $0x11900  }
0xcc: {  	[tilespmem:s29], [sflag:$0x2] =	stream.indirect_vreg.gather [hbm4b:s8+s4], $0x80, v3, vm0, $0xb8;
	[tilespmem:$0x1E100] =	vst v63  }
0xcd: {  	_ =	swait.ge [sflag:s20], $0x3000  }
0xce: {  	[sflag:s20] =	ssyncset.done $0x0  }
0xcf: {  	[sflag:s20] =	ssyncadd.s32 $0xFFFFD000  }
0xd0: {  	_ =	swait.ge [sflag:s14], $0x3000  }
0xd1: {  	[sflag:s14] =	ssyncset.done $0x0  }
0xd2: {  	s6 =	rddreg [dreg:$0xc];
	[sflag:s14] =	ssyncadd.s32 $0xFFFFD000  }
0xd3: {  	[tilespmem:s31], [sflag:$0x5] =	stream.linear.gather [spmem:s6], $0x3000, $0x38;
	[tilespmem:$0x1E100] =	vst v63  }
0xd4: {  	s17 =	simm.s32 $0x12100;
	s11 =	rddreg [dreg:$0xd]  }
0xd5: {  	[hbm4b:s11+s4] =	stream.linear.scatter [tilespmem:s17], [sflag:$0x9], $0x3000, $0x38;
	[tilespmem:$0x1E100] =	vst v63  }
0xd6: {  	_ =	swait.ge [sflag:s21], $0x3000  }
0xd7: {  	[sflag:s21] =	ssyncset.done $0x0  }
0xd8: {  	[sflag:s21] =	ssyncadd.s32 $0xFFFFD000  }
0xd9: {  	v3 =	vld [tilespmem:$0x60];
	_ =	sdelay $0x4  }
0xda: {  	v54 =	vshrl.u32 v3, $0x3  }
0xdb: {  	v4 =	vmul.u32 $0x30, v54  }
0xdc: {  	v3 =	vand.u32 $0x7, v3  }
0xdd: {  	v3 =	vor.u32 v3, v4  }
0xde: {  	v4 =	vperm.xlane v3, v0;
	_ =	sdelay $0x1  }
0xdf: {  	v4 =	vadd.s32 v1, v4;
	_ =	sdelay $0x3  }
0xe0: {  	v3 =	vperm.xlane v3, v2  }
0xe1: {  	[tilespmem:s17], [sflag:$0x3] =	stream.indirect_vreg.gather [hbm4b:s1+s4], $0x80, v4, vm0, $0xb8;
	[tilespmem:$0x1E100] =	vst v63  }
0xe2: {  	s25 =	simm.s32 $0x12900;
	v3 =	vadd.s32 v1, v3  }
0xe3: {  	[tilespmem:s25], [sflag:$0x3] =	stream.indirect_vreg.gather [hbm4b:s7+s4], $0x80, v4, vm0, $0xb8;
	[tilespmem:$0x1E100] =	vst v63  }
0xe4: {  	s17 =	simm.s32 $0x13100  }
0xe5: {  	[tilespmem:s17], [sflag:$0x3] =	stream.indirect_vreg.gather [hbm4b:s8+s4], $0x80, v4, vm0, $0xb8;
	[tilespmem:$0x1E100] =	vst v63  }
0xe6: {  	s11 =	simm.s32 $0x13900  }
0xe7: {  	[tilespmem:s11], [sflag:$0x3] =	stream.indirect_vreg.gather [hbm4b:s1+s4], $0x80, v3, vm0, $0xb8;
	[tilespmem:$0x1E100] =	vst v63  }
0xe8: {  	s30 =	simm.s32 $0x14100  }
0xe9: {  	[tilespmem:s30], [sflag:$0x3] =	stream.indirect_vreg.gather [hbm4b:s7+s4], $0x80, v3, vm0, $0xb8;
	[tilespmem:$0x1E100] =	vst v63  }
0xea: {  	s26 =	simm.s32 $0x14900  }
0xeb: {  	[tilespmem:s26], [sflag:$0x3] =	stream.indirect_vreg.gather [hbm4b:s8+s4], $0x80, v3, vm0, $0xb8;
	[tilespmem:$0x1E100] =	vst v63  }
0xec: {  	_ =	swait.ge [sflag:s22], $0x3000  }
0xed: {  	[sflag:s22] =	ssyncset.done $0x0  }
0xee: {  	[sflag:s22] =	ssyncadd.s32 $0xFFFFD000  }
0xef: {  	_ =	swait.ge [sflag:s18], $0x3000  }
0xf0: {  	[sflag:s18] =	ssyncset.done $0x0  }
0xf1: {  	s25 =	rddreg [dreg:$0xe];
	[sflag:s18] =	ssyncadd.s32 $0xFFFFD000  }
0xf2: {  	[tilespmem:s3], [sflag:$0x6] =	stream.linear.gather [spmem:s25], $0x3000, $0x38;
	[tilespmem:$0x1E100] =	vst v63  }
0xf3: {  	s26 =	rddreg [dreg:$0xf]  }
0xf4: {  	[hbm4b:s26+s4] =	stream.linear.scatter [tilespmem:s0], [sflag:$0xA], $0x3000, $0x38;
	[tilespmem:$0x1E100] =	vst v63  }
0xf5: {  	_ =	swait.ge [sflag:s24], $0x3000  }
0xf6: {  	[sflag:s24] =	ssyncset.done $0x0  }
0xf7: {  	[sflag:s24] =	ssyncadd.s32 $0xFFFFD000  }
0xf8: {  	v3 =	vld [tilespmem:$0x70];
	_ =	sdelay $0x4  }
0xf9: {  	v55 =	vshrl.u32 v3, $0x3  }
0xfa: {  	v4 =	vmul.u32 $0x30, v55  }
0xfb: {  	v3 =	vand.u32 $0x7, v3  }
0xfc: {  	v3 =	vor.u32 v3, v4  }
0xfd: {  	v4 =	vperm.xlane v3, v0;
	_ =	sdelay $0x1  }
0xfe: {  	v4 =	vadd.s32 v1, v4;
	_ =	sdelay $0x3  }
0xff: {  	v3 =	vperm.xlane v3, v2  }
0x100: {  	[tilespmem:s0], [sflag:$0x4] =	stream.indirect_vreg.gather [hbm4b:s1+s4], $0x80, v4, vm0, $0xb8;
	[tilespmem:$0x1E100] =	vst v63  }
0x101: {  	s26 =	simm.s32 $0x15900;
	v3 =	vadd.s32 v1, v3  }
0x102: {  	[tilespmem:s26], [sflag:$0x4] =	stream.indirect_vreg.gather [hbm4b:s7+s4], $0x80, v4, vm0, $0xb8;
	[tilespmem:$0x1E100] =	vst v63  }
0x103: {  	s26 =	simm.s32 $0x16100  }
0x104: {  	[tilespmem:s26], [sflag:$0x4] =	stream.indirect_vreg.gather [hbm4b:s8+s4], $0x80, v4, vm0, $0xb8;
	[tilespmem:$0x1E100] =	vst v63  }
0x105: {  	s26 =	simm.s32 $0x16900  }
0x106: {  	[tilespmem:s26], [sflag:$0x4] =	stream.indirect_vreg.gather [hbm4b:s1+s4], $0x80, v3, vm0, $0xb8;
	[tilespmem:$0x1E100] =	vst v63  }
0x107: {  	s26 =	simm.s32 $0x17100  }
0x108: {  	[tilespmem:s26], [sflag:$0x4] =	stream.indirect_vreg.gather [hbm4b:s7+s4], $0x80, v3, vm0, $0xb8;
	[tilespmem:$0x1E100] =	vst v63  }
0x109: {  	s26 =	simm.s32 $0x17900  }
0x10a: {  	[tilespmem:s26], [sflag:$0x4] =	stream.indirect_vreg.gather [hbm4b:s8+s4], $0x80, v3, vm0, $0xb8;
	[tilespmem:$0x1E100] =	vst v63  }
0x10b: {  	_ =	swait.ge [sflag:s13], $0x3000  }
0x10c: {  	[sflag:s13] =	ssyncset.done $0x0  }
0x10d: {  	[sflag:s13] =	ssyncadd.s32 $0xFFFFD000  }
0x10e: {  	_ =	swait.ge [sflag:s14], $0x3000  }
0x10f: {  	[sflag:s14] =	ssyncset.done $0x0  }
0x110: {  	s25 =	rddreg [dreg:$0x10];
	[sflag:s14] =	ssyncadd.s32 $0xFFFFD000  }
0x111: {  	[tilespmem:s31], [sflag:$0x5] =	stream.linear.gather [spmem:s25], $0x3000, $0x38;
	[tilespmem:$0x1E100] =	vst v63  }
0x112: {  	s2 =	simm.s32 $0xC100;
	s26 =	rddreg [dreg:$0x11]  }
0x113: {  	[hbm4b:s26+s4] =	stream.linear.scatter [tilespmem:s2], [sflag:$0x7], $0x3000, $0x38;
	[tilespmem:$0x1E100] =	vst v63  }
0x114: {  	_ =	swait.ge [sflag:s15], $0x3000  }
0x115: {  	[sflag:s15] =	ssyncset.done $0x0  }
0x116: {  	[sflag:s15] =	ssyncadd.s32 $0xFFFFD000  }
0x117: {  	v3 =	vld [tilespmem:$0x80];
	_ =	sdelay $0x4  }
0x118: {  	v56 =	vshrl.u32 v3, $0x3  }
0x119: {  	v4 =	vmul.u32 $0x30, v56  }
0x11a: {  	v3 =	vand.u32 $0x7, v3  }
0x11b: {  	v3 =	vor.u32 v3, v4  }
0x11c: {  	v4 =	vperm.xlane v3, v0;
	_ =	sdelay $0x1  }
0x11d: {  	v4 =	vadd.s32 v1, v4;
	_ =	sdelay $0x3  }
0x11e: {  	v3 =	vperm.xlane v3, v2  }
0x11f: {  	[tilespmem:s2], [sflag:$0x1] =	stream.indirect_vreg.gather [hbm4b:s1+s4], $0x80, v4, vm0, $0xb8;
	[tilespmem:$0x1E100] =	vst v63  }
0x120: {  	s25 =	simm.s32 $0xC900;
	v3 =	vadd.s32 v1, v3  }
0x121: {  	[tilespmem:s25], [sflag:$0x1] =	stream.indirect_vreg.gather [hbm4b:s7+s4], $0x80, v4, vm0, $0xb8;
	[tilespmem:$0x1E100] =	vst v63  }
0x122: {  	_ = 	snop  }
0x123: {  	[tilespmem:s10], [sflag:$0x1] =	stream.indirect_vreg.gather [hbm4b:s8+s4], $0x80, v4, vm0, $0xb8;
	[tilespmem:$0x1E100] =	vst v63  }
0x124: {  	_ = 	snop  }
0x125: {  	[tilespmem:s12], [sflag:$0x1] =	stream.indirect_vreg.gather [hbm4b:s1+s4], $0x80, v3, vm0, $0xb8;
	[tilespmem:$0x1E100] =	vst v63  }
0x126: {  	_ = 	snop  }
0x127: {  	[tilespmem:s23], [sflag:$0x1] =	stream.indirect_vreg.gather [hbm4b:s7+s4], $0x80, v3, vm0, $0xb8;
	[tilespmem:$0x1E100] =	vst v63  }
0x128: {  	_ = 	snop  }
0x129: {  	[tilespmem:s28], [sflag:$0x1] =	stream.indirect_vreg.gather [hbm4b:s8+s4], $0x80, v3, vm0, $0xb8;
	[tilespmem:$0x1E100] =	vst v63  }
0x12a: {  	_ =	swait.ge [sflag:s16], $0x3000  }
0x12b: {  	[sflag:s16] =	ssyncset.done $0x0  }
0x12c: {  	[sflag:s16] =	ssyncadd.s32 $0xFFFFD000  }
0x12d: {  	_ =	swait.ge [sflag:s18], $0x3000  }
0x12e: {  	[sflag:s18] =	ssyncset.done $0x0  }
0x12f: {  	s26 =	rddreg [dreg:$0x12];
	[sflag:s18] =	ssyncadd.s32 $0xFFFFD000  }
0x130: {  	[tilespmem:s3], [sflag:$0x6] =	stream.linear.gather [spmem:s26], $0x3000, $0x38;
	[tilespmem:$0x1E100] =	vst v63  }
0x131: {  	s5 =	simm.s32 $0xF100;
	s2 =	rddreg [dreg:$0x13]  }
0x132: {  	[hbm4b:s2+s4] =	stream.linear.scatter [tilespmem:s5], [sflag:$0x8], $0x3000, $0x38;
	[tilespmem:$0x1E100] =	vst v63  }
0x133: {  	_ =	swait.ge [sflag:s19], $0x3000  }
0x134: {  	[sflag:s19] =	ssyncset.done $0x0  }
0x135: {  	[sflag:s19] =	ssyncadd.s32 $0xFFFFD000  }
0x136: {  	v3 =	vld [tilespmem:$0x90];
	_ =	sdelay $0x4  }
0x137: {  	v57 =	vshrl.u32 v3, $0x3  }
0x138: {  	v4 =	vmul.u32 $0x30, v57  }
0x139: {  	v3 =	vand.u32 $0x7, v3  }
0x13a: {  	v3 =	vor.u32 v3, v4  }
0x13b: {  	v4 =	vperm.xlane v3, v0;
	_ =	sdelay $0x1  }
0x13c: {  	v4 =	vadd.s32 v1, v4;
	_ =	sdelay $0x3  }
0x13d: {  	v3 =	vperm.xlane v3, v2  }
0x13e: {  	[tilespmem:s5], [sflag:$0x2] =	stream.indirect_vreg.gather [hbm4b:s1+s4], $0x80, v4, vm0, $0xb8;
	[tilespmem:$0x1E100] =	vst v63  }
0x13f: {  	s10 =	simm.s32 $0xF900;
	v3 =	vadd.s32 v1, v3  }
0x140: {  	[tilespmem:s10], [sflag:$0x2] =	stream.indirect_vreg.gather [hbm4b:s7+s4], $0x80, v4, vm0, $0xb8;
	[tilespmem:$0x1E100] =	vst v63  }
0x141: {  	s2 =	simm.s32 $0x10100  }
0x142: {  	[tilespmem:s2], [sflag:$0x2] =	stream.indirect_vreg.gather [hbm4b:s8+s4], $0x80, v4, vm0, $0xb8;
	[tilespmem:$0x1E100] =	vst v63  }
0x143: {  	s25 =	simm.s32 $0x10900  }
0x144: {  	[tilespmem:s25], [sflag:$0x2] =	stream.indirect_vreg.gather [hbm4b:s1+s4], $0x80, v3, vm0, $0xb8;
	[tilespmem:$0x1E100] =	vst v63  }
0x145: {  	s5 =	simm.s32 $0x11100  }
0x146: {  	[tilespmem:s5], [sflag:$0x2] =	stream.indirect_vreg.gather [hbm4b:s7+s4], $0x80, v3, vm0, $0xb8;
	[tilespmem:$0x1E100] =	vst v63  }
0x147: {  	_ = 	snop  }
0x148: {  	[tilespmem:s29], [sflag:$0x2] =	stream.indirect_vreg.gather [hbm4b:s8+s4], $0x80, v3, vm0, $0xb8;
	[tilespmem:$0x1E100] =	vst v63  }
0x149: {  	_ =	swait.ge [sflag:s20], $0x3000  }
0x14a: {  	[sflag:s20] =	ssyncset.done $0x0  }
0x14b: {  	[sflag:s20] =	ssyncadd.s32 $0xFFFFD000  }
0x14c: {  	_ =	swait.ge [sflag:s14], $0x3000  }
0x14d: {  	[sflag:s14] =	ssyncset.done $0x0  }
0x14e: {  	s26 =	rddreg [dreg:$0x14];
	[sflag:s14] =	ssyncadd.s32 $0xFFFFD000  }
0x14f: {  	[tilespmem:s31], [sflag:$0x5] =	stream.linear.gather [spmem:s26], $0x3000, $0x38;
	[tilespmem:$0x1E100] =	vst v63  }
0x150: {  	s6 =	simm.s32 $0x12100;
	s10 =	rddreg [dreg:$0x15]  }
0x151: {  	[hbm4b:s10+s4] =	stream.linear.scatter [tilespmem:s6], [sflag:$0x9], $0x3000, $0x38;
	[tilespmem:$0x1E100] =	vst v63  }
0x152: {  	_ =	swait.ge [sflag:s21], $0x3000  }
0x153: {  	[sflag:s21] =	ssyncset.done $0x0  }
0x154: {  	[sflag:s21] =	ssyncadd.s32 $0xFFFFD000  }
0x155: {  	v3 =	vld [tilespmem:$0xA0];
	_ =	sdelay $0x4  }
0x156: {  	v58 =	vshrl.u32 v3, $0x3  }
0x157: {  	v4 =	vmul.u32 $0x30, v58  }
0x158: {  	v3 =	vand.u32 $0x7, v3  }
0x159: {  	v3 =	vor.u32 v3, v4  }
0x15a: {  	v4 =	vperm.xlane v3, v0;
	_ =	sdelay $0x1  }
0x15b: {  	v4 =	vadd.s32 v1, v4;
	_ =	sdelay $0x3  }
0x15c: {  	v3 =	vperm.xlane v3, v2  }
0x15d: {  	[tilespmem:s6], [sflag:$0x3] =	stream.indirect_vreg.gather [hbm4b:s1+s4], $0x80, v4, vm0, $0xb8;
	[tilespmem:$0x1E100] =	vst v63  }
0x15e: {  	s25 =	simm.s32 $0x12900;
	v3 =	vadd.s32 v1, v3  }
0x15f: {  	[tilespmem:s25], [sflag:$0x3] =	stream.indirect_vreg.gather [hbm4b:s7+s4], $0x80, v4, vm0, $0xb8;
	[tilespmem:$0x1E100] =	vst v63  }
0x160: {  	_ = 	snop  }
0x161: {  	[tilespmem:s17], [sflag:$0x3] =	stream.indirect_vreg.gather [hbm4b:s8+s4], $0x80, v4, vm0, $0xb8;
	[tilespmem:$0x1E100] =	vst v63  }
0x162: {  	_ = 	snop  }
0x163: {  	[tilespmem:s11], [sflag:$0x3] =	stream.indirect_vreg.gather [hbm4b:s1+s4], $0x80, v3, vm0, $0xb8;
	[tilespmem:$0x1E100] =	vst v63  }
0x164: {  	_ = 	snop  }
0x165: {  	[tilespmem:s30], [sflag:$0x3] =	stream.indirect_vreg.gather [hbm4b:s7+s4], $0x80, v3, vm0, $0xb8;
	[tilespmem:$0x1E100] =	vst v63  }
0x166: {  	s26 =	simm.s32 $0x14900  }
0x167: {  	[tilespmem:s26], [sflag:$0x3] =	stream.indirect_vreg.gather [hbm4b:s8+s4], $0x80, v3, vm0, $0xb8;
	[tilespmem:$0x1E100] =	vst v63  }
0x168: {  	_ =	swait.ge [sflag:s22], $0x3000  }
0x169: {  	[sflag:s22] =	ssyncset.done $0x0  }
0x16a: {  	[sflag:s22] =	ssyncadd.s32 $0xFFFFD000  }
0x16b: {  	_ =	swait.ge [sflag:s18], $0x3000  }
0x16c: {  	[sflag:s18] =	ssyncset.done $0x0  }
0x16d: {  	s30 =	rddreg [dreg:$0x16];
	[sflag:s18] =	ssyncadd.s32 $0xFFFFD000  }
0x16e: {  	[tilespmem:s3], [sflag:$0x6] =	stream.linear.gather [spmem:s30], $0x3000, $0x38;
	[tilespmem:$0x1E100] =	vst v63  }
0x16f: {  	s11 =	rddreg [dreg:$0x17]  }
0x170: {  	[hbm4b:s11+s4] =	stream.linear.scatter [tilespmem:s0], [sflag:$0xA], $0x3000, $0x38;
	[tilespmem:$0x1E100] =	vst v63  }
0x171: {  	_ =	swait.ge [sflag:s24], $0x3000  }
0x172: {  	[sflag:s24] =	ssyncset.done $0x0  }
0x173: {  	[sflag:s24] =	ssyncadd.s32 $0xFFFFD000  }
0x174: {  	v3 =	vld [tilespmem:$0xB0];
	_ =	sdelay $0x4  }
0x175: {  	v59 =	vshrl.u32 v3, $0x3  }
0x176: {  	v4 =	vmul.u32 $0x30, v59  }
0x177: {  	v3 =	vand.u32 $0x7, v3  }
0x178: {  	v3 =	vor.u32 v3, v4  }
0x179: {  	v4 =	vperm.xlane v3, v0;
	_ =	sdelay $0x1  }
0x17a: {  	v4 =	vadd.s32 v1, v4;
	_ =	sdelay $0x3  }
0x17b: {  	v3 =	vperm.xlane v3, v2  }
0x17c: {  	[tilespmem:s0], [sflag:$0x4] =	stream.indirect_vreg.gather [hbm4b:s1+s4], $0x80, v4, vm0, $0xb8;
	[tilespmem:$0x1E100] =	vst v63  }
0x17d: {  	s25 =	simm.s32 $0x15900;
	v3 =	vadd.s32 v1, v3  }
0x17e: {  	[tilespmem:s25], [sflag:$0x4] =	stream.indirect_vreg.gather [hbm4b:s7+s4], $0x80, v4, vm0, $0xb8;
	[tilespmem:$0x1E100] =	vst v63  }
0x17f: {  	s26 =	simm.s32 $0x16100  }
0x180: {  	[tilespmem:s26], [sflag:$0x4] =	stream.indirect_vreg.gather [hbm4b:s8+s4], $0x80, v4, vm0, $0xb8;
	[tilespmem:$0x1E100] =	vst v63  }
0x181: {  	s30 =	simm.s32 $0x16900  }
0x182: {  	[tilespmem:s30], [sflag:$0x4] =	stream.indirect_vreg.gather [hbm4b:s1+s4], $0x80, v3, vm0, $0xb8;
	[tilespmem:$0x1E100] =	vst v63  }
0x183: {  	s25 =	simm.s32 $0x17100  }
0x184: {  	[tilespmem:s25], [sflag:$0x4] =	stream.indirect_vreg.gather [hbm4b:s7+s4], $0x80, v3, vm0, $0xb8;
	[tilespmem:$0x1E100] =	vst v63  }
0x185: {  	s26 =	simm.s32 $0x17900  }
0x186: {  	[tilespmem:s26], [sflag:$0x4] =	stream.indirect_vreg.gather [hbm4b:s8+s4], $0x80, v3, vm0, $0xb8;
	[tilespmem:$0x1E100] =	vst v63  }
0x187: {  	_ =	swait.ge [sflag:s13], $0x3000  }
0x188: {  	[sflag:s13] =	ssyncset.done $0x0  }
0x189: {  	[sflag:s13] =	ssyncadd.s32 $0xFFFFD000  }
0x18a: {  	_ =	swait.ge [sflag:s14], $0x3000  }
0x18b: {  	[sflag:s14] =	ssyncset.done $0x0  }
0x18c: {  	s30 =	rddreg [dreg:$0x18];
	[sflag:s14] =	ssyncadd.s32 $0xFFFFD000  }
0x18d: {  	[tilespmem:s31], [sflag:$0x5] =	stream.linear.gather [spmem:s30], $0x3000, $0x38;
	[tilespmem:$0x1E100] =	vst v63  }
0x18e: {  	s11 =	rddreg [dreg:$0x19];
	s30 =	simm.s32 $0xC100  }
0x18f: {  	[hbm4b:s11+s4] =	stream.linear.scatter [tilespmem:s30], [sflag:$0x7], $0x3000, $0x38;
	[tilespmem:$0x1E100] =	vst v63  }
0x190: {  	_ =	swait.ge [sflag:s15], $0x3000  }
0x191: {  	[sflag:s15] =	ssyncset.done $0x0  }
0x192: {  	[sflag:s15] =	ssyncadd.s32 $0xFFFFD000  }
0x193: {  	v3 =	vld [tilespmem:$0xC0];
	_ =	sdelay $0x4  }
0x194: {  	v60 =	vshrl.u32 v3, $0x3  }
0x195: {  	v4 =	vmul.u32 $0x30, v60  }
0x196: {  	v3 =	vand.u32 $0x7, v3  }
0x197: {  	v3 =	vor.u32 v3, v4  }
0x198: {  	v4 =	vperm.xlane v3, v0;
	_ =	sdelay $0x1  }
0x199: {  	v4 =	vadd.s32 v1, v4;
	_ =	sdelay $0x3  }
0x19a: {  	v3 =	vperm.xlane v3, v2  }
0x19b: {  	[tilespmem:s30], [sflag:$0x1] =	stream.indirect_vreg.gather [hbm4b:s1+s4], $0x80, v4, vm0, $0xb8;
	[tilespmem:$0x1E100] =	vst v63  }
0x19c: {  	s25 =	simm.s32 $0xC900;
	v3 =	vadd.s32 v1, v3  }
0x19d: {  	[tilespmem:s25], [sflag:$0x1] =	stream.indirect_vreg.gather [hbm4b:s7+s4], $0x80, v4, vm0, $0xb8;
	[tilespmem:$0x1E100] =	vst v63  }
0x19e: {  	s26 =	simm.s32 $0xD100  }
0x19f: {  	[tilespmem:s26], [sflag:$0x1] =	stream.indirect_vreg.gather [hbm4b:s8+s4], $0x80, v4, vm0, $0xb8;
	[tilespmem:$0x1E100] =	vst v63  }
0x1a0: {  	s12 =	simm.s32 $0xD900  }
0x1a1: {  	[tilespmem:s12], [sflag:$0x1] =	stream.indirect_vreg.gather [hbm4b:s1+s4], $0x80, v3, vm0, $0xb8;
	[tilespmem:$0x1E100] =	vst v63  }
0x1a2: {  	s23 =	simm.s32 $0xE100  }
0x1a3: {  	[tilespmem:s23], [sflag:$0x1] =	stream.indirect_vreg.gather [hbm4b:s7+s4], $0x80, v3, vm0, $0xb8;
	[tilespmem:$0x1E100] =	vst v63  }
0x1a4: {  	s28 =	simm.s32 $0xE900  }
0x1a5: {  	[tilespmem:s28], [sflag:$0x1] =	stream.indirect_vreg.gather [hbm4b:s8+s4], $0x80, v3, vm0, $0xb8;
	[tilespmem:$0x1E100] =	vst v63  }
0x1a6: {  	_ =	swait.ge [sflag:s16], $0x3000  }
0x1a7: {  	[sflag:s16] =	ssyncset.done $0x0  }
0x1a8: {  	[sflag:s16] =	ssyncadd.s32 $0xFFFFD000  }
0x1a9: {  	_ =	swait.ge [sflag:s18], $0x3000  }
0x1aa: {  	[sflag:s18] =	ssyncset.done $0x0  }
0x1ab: {  	s11 =	rddreg [dreg:$0x1a];
	[sflag:s18] =	ssyncadd.s32 $0xFFFFD000  }
0x1ac: {  	[tilespmem:s3], [sflag:$0x6] =	stream.linear.gather [spmem:s11], $0x3000, $0x38;
	[tilespmem:$0x1E100] =	vst v63  }
0x1ad: {  	s23 =	simm.s32 $0xF100;
	s12 =	rddreg [dreg:$0x1b]  }
0x1ae: {  	[hbm4b:s12+s4] =	stream.linear.scatter [tilespmem:s23], [sflag:$0x8], $0x3000, $0x38;
	[tilespmem:$0x1E100] =	vst v63  }
0x1af: {  	_ =	swait.ge [sflag:s19], $0x3000  }
0x1b0: {  	[sflag:s19] =	ssyncset.done $0x0  }
0x1b1: {  	[sflag:s19] =	ssyncadd.s32 $0xFFFFD000  }
0x1b2: {  	v3 =	vld [tilespmem:$0xD0];
	_ =	sdelay $0x4  }
0x1b3: {  	v61 =	vshrl.u32 v3, $0x3  }
0x1b4: {  	v4 =	vmul.u32 $0x30, v61  }
0x1b5: {  	v3 =	vand.u32 $0x7, v3  }
0x1b6: {  	v3 =	vor.u32 v3, v4  }
0x1b7: {  	v4 =	vperm.xlane v3, v0;
	_ =	sdelay $0x1  }
0x1b8: {  	v4 =	vadd.s32 v1, v4;
	_ =	sdelay $0x3  }
0x1b9: {  	v3 =	vperm.xlane v3, v2  }
0x1ba: {  	[tilespmem:s23], [sflag:$0x2] =	stream.indirect_vreg.gather [hbm4b:s1+s4], $0x80, v4, vm0, $0xb8;
	[tilespmem:$0x1E100] =	vst v63  }
0x1bb: {  	s25 =	simm.s32 $0xF900;
	v3 =	vadd.s32 v1, v3  }
0x1bc: {  	[tilespmem:s25], [sflag:$0x2] =	stream.indirect_vreg.gather [hbm4b:s7+s4], $0x80, v4, vm0, $0xb8;
	[tilespmem:$0x1E100] =	vst v63  }
0x1bd: {  	_ = 	snop  }
0x1be: {  	[tilespmem:s2], [sflag:$0x2] =	stream.indirect_vreg.gather [hbm4b:s8+s4], $0x80, v4, vm0, $0xb8;
	[tilespmem:$0x1E100] =	vst v63  }
0x1bf: {  	s26 =	simm.s32 $0x10900  }
0x1c0: {  	[tilespmem:s26], [sflag:$0x2] =	stream.indirect_vreg.gather [hbm4b:s1+s4], $0x80, v3, vm0, $0xb8;
	[tilespmem:$0x1E100] =	vst v63  }
0x1c1: {  	_ = 	snop  }
0x1c2: {  	[tilespmem:s5], [sflag:$0x2] =	stream.indirect_vreg.gather [hbm4b:s7+s4], $0x80, v3, vm0, $0xb8;
	[tilespmem:$0x1E100] =	vst v63  }
0x1c3: {  	s29 =	simm.s32 $0x11900  }
0x1c4: {  	[tilespmem:s29], [sflag:$0x2] =	stream.indirect_vreg.gather [hbm4b:s8+s4], $0x80, v3, vm0, $0xb8;
	[tilespmem:$0x1E100] =	vst v63  }
0x1c5: {  	_ =	swait.ge [sflag:s20], $0x3000  }
0x1c6: {  	[sflag:s20] =	ssyncset.done $0x0  }
0x1c7: {  	[sflag:s20] =	ssyncadd.s32 $0xFFFFD000  }
0x1c8: {  	_ =	swait.ge [sflag:s14], $0x3000  }
0x1c9: {  	[sflag:s14] =	ssyncset.done $0x0  }
0x1ca: {  	s28 =	rddreg [dreg:$0x1c];
	[sflag:s14] =	ssyncadd.s32 $0xFFFFD000  }
0x1cb: {  	[tilespmem:s31], [sflag:$0x5] =	stream.linear.gather [spmem:s28], $0x3000, $0x38;
	[tilespmem:$0x1E100] =	vst v63  }
0x1cc: {  	s2 =	simm.s32 $0x12100;
	s29 =	rddreg [dreg:$0x1d]  }
0x1cd: {  	[hbm4b:s29+s4] =	stream.linear.scatter [tilespmem:s2], [sflag:$0x9], $0x3000, $0x38;
	[tilespmem:$0x1E100] =	vst v63  }
0x1ce: {  	_ =	swait.ge [sflag:s21], $0x3000  }
0x1cf: {  	[sflag:s21] =	ssyncset.done $0x0  }
0x1d0: {  	[sflag:s21] =	ssyncadd.s32 $0xFFFFD000  }
0x1d1: {  	v3 =	vld [tilespmem:$0xE0];
	_ =	sdelay $0x4  }
0x1d2: {  	v62 =	vshrl.u32 v3, $0x3  }
0x1d3: {  	v4 =	vmul.u32 $0x30, v62  }
0x1d4: {  	v3 =	vand.u32 $0x7, v3  }
0x1d5: {  	v3 =	vor.u32 v3, v4  }
0x1d6: {  	v4 =	vperm.xlane v3, v0;
	_ =	sdelay $0x1  }
0x1d7: {  	v4 =	vadd.s32 v1, v4;
	_ =	sdelay $0x3  }
0x1d8: {  	v3 =	vperm.xlane v3, v2  }
0x1d9: {  	[tilespmem:s2], [sflag:$0x3] =	stream.indirect_vreg.gather [hbm4b:s1+s4], $0x80, v4, vm0, $0xb8;
	[tilespmem:$0x1E100] =	vst v63  }
0x1da: {  	s10 =	simm.s32 $0x12900;
	v3 =	vadd.s32 v1, v3  }
0x1db: {  	[tilespmem:s10], [sflag:$0x3] =	stream.indirect_vreg.gather [hbm4b:s7+s4], $0x80, v4, vm0, $0xb8;
	[tilespmem:$0x1E100] =	vst v63  }
0x1dc: {  	s17 =	simm.s32 $0x13100  }
0x1dd: {  	[tilespmem:s17], [sflag:$0x3] =	stream.indirect_vreg.gather [hbm4b:s8+s4], $0x80, v4, vm0, $0xb8;
	[tilespmem:$0x1E100] =	vst v63  }
0x1de: {  	s5 =	simm.s32 $0x13900  }
0x1df: {  	[tilespmem:s5], [sflag:$0x3] =	stream.indirect_vreg.gather [hbm4b:s1+s4], $0x80, v3, vm0, $0xb8;
	[tilespmem:$0x1E100] =	vst v63  }
0x1e0: {  	s10 =	simm.s32 $0x14100  }
0x1e1: {  	[tilespmem:s10], [sflag:$0x3] =	stream.indirect_vreg.gather [hbm4b:s7+s4], $0x80, v3, vm0, $0xb8;
	[tilespmem:$0x1E100] =	vst v63  }
0x1e2: {  	s6 =	simm.s32 $0x14900  }
0x1e3: {  	[tilespmem:s6], [sflag:$0x3] =	stream.indirect_vreg.gather [hbm4b:s8+s4], $0x80, v3, vm0, $0xb8;
	[tilespmem:$0x1E100] =	vst v63  }
0x1e4: {  	_ =	swait.ge [sflag:s22], $0x3000  }
0x1e5: {  	[sflag:s22] =	ssyncset.done $0x0  }
0x1e6: {  	[sflag:s22] =	ssyncadd.s32 $0xFFFFD000  }
0x1e7: {  	_ =	swait.ge [sflag:s18], $0x3000  }
0x1e8: {  	[sflag:s18] =	ssyncset.done $0x0  }
0x1e9: {  	s17 =	rddreg [dreg:$0x1e];
	[sflag:s18] =	ssyncadd.s32 $0xFFFFD000  }
0x1ea: {  	[tilespmem:s3], [sflag:$0x6] =	stream.linear.gather [spmem:s17], $0x3000, $0x38;
	[tilespmem:$0x1E100] =	vst v63  }
0x1eb: {  	s23 =	rddreg [dreg:$0x1f]  }
0x1ec: {  	[hbm4b:s23+s4] =	stream.linear.scatter [tilespmem:s0], [sflag:$0xA], $0x3000, $0x38;
	[tilespmem:$0x1E100] =	vst v63  }
0x1ed: {  	_ =	swait.ge [sflag:s24], $0x3000  }
0x1ee: {  	[sflag:s24] =	ssyncset.done $0x0  }
0x1ef: {  	[sflag:s24] =	ssyncadd.s32 $0xFFFFD000  }
0x1f0: {  	v3 =	vld [tilespmem:$0xF0];
	_ =	sdelay $0x4  }
0x1f1: {  	v63 =	vshrl.u32 v3, $0x3  }
0x1f2: {  	v4 =	vmul.u32 $0x30, v63  }
0x1f3: {  	v3 =	vand.u32 $0x7, v3  }
0x1f4: {  	v3 =	vor.u32 v3, v4  }
0x1f5: {  	v4 =	vperm.xlane v3, v0;
	_ =	sdelay $0x1  }
0x1f6: {  	v4 =	vadd.s32 v1, v4;
	_ =	sdelay $0x3  }
0x1f7: {  	v3 =	vperm.xlane v3, v2  }
0x1f8: {  	[tilespmem:s0], [sflag:$0x4] =	stream.indirect_vreg.gather [hbm4b:s1+s4], $0x80, v4, vm0, $0xb8;
	[tilespmem:$0x1E100] =	vst v63  }
0x1f9: {  	s28 =	simm.s32 $0x15900;
	v3 =	vadd.s32 v1, v3  }
0x1fa: {  	[tilespmem:s28], [sflag:$0x4] =	stream.indirect_vreg.gather [hbm4b:s7+s4], $0x80, v4, vm0, $0xb8;
	[tilespmem:$0x1E100] =	vst v63  }
0x1fb: {  	s29 =	simm.s32 $0x16100  }
0x1fc: {  	[tilespmem:s29], [sflag:$0x4] =	stream.indirect_vreg.gather [hbm4b:s8+s4], $0x80, v4, vm0, $0xb8;
	[tilespmem:$0x1E100] =	vst v63  }
0x1fd: {  	s5 =	simm.s32 $0x16900  }
0x1fe: {  	[tilespmem:s5], [sflag:$0x4] =	stream.indirect_vreg.gather [hbm4b:s1+s4], $0x80, v3, vm0, $0xb8;
	[tilespmem:$0x1E100] =	vst v63  }
0x1ff: {  	s6 =	simm.s32 $0x17100  }
0x200: {  	[tilespmem:s6], [sflag:$0x4] =	stream.indirect_vreg.gather [hbm4b:s7+s4], $0x80, v3, vm0, $0xb8;
	[tilespmem:$0x1E100] =	vst v63  }
0x201: {  	s10 =	simm.s32 $0x17900  }
0x202: {  	[tilespmem:s10], [sflag:$0x4] =	stream.indirect_vreg.gather [hbm4b:s8+s4], $0x80, v3, vm0, $0xb8;
	[tilespmem:$0x1E100] =	vst v63  }
0x203: {  	_ =	swait.ge [sflag:s13], $0x3000  }
0x204: {  	[sflag:s13] =	ssyncset.done $0x0  }
0x205: {  	[sflag:s13] =	ssyncadd.s32 $0xFFFFD000  }
0x206: {  	_ =	swait.ge [sflag:s14], $0x3000  }
0x207: {  	s17 =	sld [smem:$0x7F3]  }
0x208: {  	[sflag:s14] =	ssyncset.done $0x0  }
0x209: {  	s23 =	sld [smem:$0x7F4];
	[sflag:s14] =	ssyncadd.s32 $0xFFFFD000  }
0x20a: {  	[tilespmem:s31], [sflag:$0x5] =	stream.linear.gather [spmem:s17], $0x3000, $0x38;
	[tilespmem:$0x1E100] =	vst v63  }
0x20b: {  	s30 =	simm.s32 $0xC100  }
0x20c: {  	[hbm4b:s23+s4] =	stream.linear.scatter [tilespmem:s30], [sflag:$0x7], $0x3000, $0x38;
	[tilespmem:$0x1E100] =	vst v63  }
0x20d: {  	_ =	swait.ge [sflag:s16], $0x3000  }
0x20e: {  	[sflag:s16] =	ssyncset.done $0x0  }
0x20f: {  	[sflag:s16] =	ssyncadd.s32 $0xFFFFD000  }
0x210: {  	_ =	swait.ge [sflag:s18], $0x3000  }
0x211: {  	s26 =	sld [smem:$0x7F6]  }
0x212: {  	[sflag:s18] =	ssyncset.done $0x0  }
0x213: {  	s28 =	sld [smem:$0x7F7];
	[sflag:s18] =	ssyncadd.s32 $0xFFFFD000  }
0x214: {  	[tilespmem:s3], [sflag:$0x6] =	stream.linear.gather [spmem:s26], $0x3000, $0x38;
	[tilespmem:$0x1E100] =	vst v63  }
0x215: {  	s11 =	simm.s32 $0xF100  }
0x216: {  	[hbm4b:s28+s4] =	stream.linear.scatter [tilespmem:s11], [sflag:$0x8], $0x3000, $0x38;
	[tilespmem:$0x1E100] =	vst v63  }
0x217: {  	_ =	swait.ge [sflag:s20], $0x3000  }
0x218: {  	[sflag:s20] =	ssyncset.done $0x0  }
0x219: {  	[sflag:s20] =	ssyncadd.s32 $0xFFFFD000  }
0x21a: {  	_ =	swait.ge [sflag:s14], $0x3000  }
0x21b: {  	s29 =	sld [smem:$0x7F8]  }
0x21c: {  	[sflag:s14] =	ssyncset.done $0x0  }
0x21d: {  	s12 =	simm.s32 $0x12100;
	[sflag:s14] =	ssyncadd.s32 $0xFFFFD000  }
0x21e: {  	[hbm4b:s29+s4] =	stream.linear.scatter [tilespmem:s12], [sflag:$0x9], $0x3000, $0x38;
	[tilespmem:$0x1E100] =	vst v63  }
0x21f: {  	_ =	swait.ge [sflag:s22], $0x3000  }
0x220: {  	[sflag:s22] =	ssyncset.done $0x0  }
0x221: {  	[sflag:s22] =	ssyncadd.s32 $0xFFFFD000  }
0x222: {  	_ =	swait.ge [sflag:s18], $0x3000  }
0x223: {  	s30 =	sld [smem:$0x7FA]  }
0x224: {  	[sflag:s18] =	ssyncset.done $0x0  }
0x225: {  	[sflag:s18] =	ssyncadd.s32 $0xFFFFD000  }
0x226: {  	[hbm4b:s30+s4] =	stream.linear.scatter [tilespmem:s0], [sflag:$0xA], $0x3000, $0x38;
	[tilespmem:$0x1E100] =	vst v63  }
0x227: {  	_ =	swait.ge [sflag:s15], $0x3000  }
0x228: {  	[sflag:s15] =	ssyncset.done $0x0  }
0x229: {  	[sflag:s15] =	ssyncadd.s32 $0xFFFFD000  }
0x22a: {  	_ =	swait.ge [sflag:s19], $0x3000  }
0x22b: {  	[sflag:s19] =	ssyncset.done $0x0  }
0x22c: {  	[sflag:s19] =	ssyncadd.s32 $0xFFFFD000  }
0x22d: {  	p0 =	sne.s32 s9, $0x1;
	_ =	swait.ge [sflag:s21], $0x3000  }
.Ltmp0:
0x22e: {  	[sflag:s21] =	ssyncset.done $0x0;
	(pc) =	sbr.rel @p0 .LBB2_1-.Ltmp0, $4  }
0x22f: {  	[sflag:s21] =	ssyncadd.s32 $0xFFFFD000  }
0x230: {  	_ =	swait.ge [sflag:s24], $0x3000  }
0x231: {  	[sflag:s24] =	ssyncset.done $0x0  }
0x232: {  	s9 =	sadd.s32 $0xFFFFFFFF, s9;
	[sflag:s24] =	ssyncadd.s32 $0xFFFFD000  }
0x233: {  	_ =	sfence.sel $0x180000  }
0x234: {  	[bflag:$0x0] =	sbarrier.arrive $0xFFFF  }
0x235: {  	_ =	strace $0x90000047  }
0x236: {  	s0 =	stileid.u32;
	[bflag:$0x2] =	sbarrier.arrive $0xFFFF  }
0x237: {  	p0 =	sne.s32 s0, $0x0;
	s0 =	rddreg [dreg:$0x5]  }
0x238: {  	s0 =	sadd.s32 @!p0 $0x100000, s0  }
0x239: {  	[sflag:s0] =	ssyncadd.tile.s32 @!p0 $0x1;
	_ =	shalt  }
.Lfunc_end2:
_tile_overlayer_lowered:
.L_overlay_start_2:
0x23a: {  	(tag) =	ssettag $0x2  }
0x23b: {  	s0 =	rddreg [dreg:$0x0];
	s2 =	stileid.u32  }
0x23c: {  	s1 =	rddreg [dreg:$0x1];
	p0 =	sne.s32 s2, $0x0  }
0x23d: {  	s3 =	rddreg [dreg:$0x2];
	[bflag:$0x3] =	sbarrier.arrive $0xFFFF;
	s2 =	simm.s32 @!p0 $0x1C0B  }
0x23e: {  	[timem:s3], [sflag:s2] =	dma.local @!p0 [hbm:s0], s1  }
0x23f: {  	s0 =	simm.s32 @!p0 $0xB  }
0x240: {  	_ =	swait.ge @!p0 [sflag:s0], s1  }
0x241: {  	s1 =	ssub.s32 @!p0 $0x0, s1;
	[sflag:s0] =	ssyncset.done @!p0 $0x0  }
0x242: {  	[sflag:s0] =	ssyncadd.s32 @!p0 s1  }
0x243: {  	[bflag:$0x3] =	sbarrier.arrive $0xFFFF  }
0x244: {  	_ =	shalt  }

</sc_bundles>
